<compile_context>
chip_gen: v7x
topology: tpu7x:2x2x1
jax: 0.10.2.dev20260603
libtpu: 0.0.44.dev20260713+nightly
codegen_flags: <defaults>
</compile_context>

<pallas_src>
import jax
import jax.numpy as jnp
from jax import lax
from jax.experimental import pallas as pl
from jax.experimental.pallas import tpu as pltpu
from jax.experimental.pallas import tpu_sc as plsc

RES = 50
NC, NS, L = 2, 16, 16
NW = NC * NS
CHUNK = 8192
BLK = 128
CB_ROWS = 2500


def _sc_body(n_per_w, pts_hbm, cb_hbm, out_hbm, cb_v, in_v, out_v,
             sem_cb, sem_in, sem_out):
    wid = lax.axis_index("s") * NC + lax.axis_index("c")
    base = wid * n_per_w
    n_chunks = n_per_w // CHUNK

    def in_copy(c, slot):
        off = base + c * CHUNK
        return pltpu.make_async_copy(
            pts_hbm.at[pl.ds(2 * off, 2 * CHUNK)],
            in_v.at[pl.ds(slot * 2 * CHUNK, 2 * CHUNK)], sem_in)

    def out_copy(c, slot):
        off = base + c * CHUNK
        return pltpu.make_async_copy(
            out_v.at[pl.ds(slot * CHUNK, CHUNK)],
            out_hbm.at[pl.ds(off, CHUNK)], sem_out)

    cb_copy = pltpu.make_async_copy(cb_hbm, cb_v, sem_cb)
    cb_copy.start()
    in_copy(0, 0).start()
    in_copy(1, 1).start()
    cb_copy.wait()

    def round_body(c, carry):
        slot = lax.rem(c, 2)
        in_copy(c, slot).wait()

        @pl.when(c >= 2)
        def _():
            out_copy(c - 2, slot).wait()

        ib_base = slot * 2 * CHUNK
        ob_base = slot * CHUNK

        @plsc.parallel_loop(0, CHUNK // BLK, unroll=2)
        def _blk(b):
            for k in range(BLK // L):
                x = in_v[pl.ds(ib_base + b * 2 * BLK + k * L, L)]
                y = in_v[pl.ds(ib_base + b * 2 * BLK + BLK + k * L, L)]
                xi = (x * 49.0).astype(jnp.int32)
                yi = (y * 49.0).astype(jnp.int32)
                cidx = xi + yi * RES
                out_v[pl.ds(ob_base + b * BLK + k * L, L)] = (
                    plsc.load_gather(cb_v, [cidx]))

        out_copy(c, slot).start()

        @pl.when(c + 2 < n_chunks)
        def _():
            in_copy(c + 2, slot).start()

        return carry

    lax.fori_loop(0, n_chunks, round_body, 0)
    out_copy(n_chunks - 2, 0).wait()
    out_copy(n_chunks - 1, 1).wait()


def kernel(pts, codebook_0):
    n = pts.shape[0]
    n_per_w = n // NW
    pts_flat = pts.reshape(n // BLK, BLK, 2).transpose(0, 2, 1).reshape(-1)
    cb_flat = codebook_0.reshape(-1)
    mesh = plsc.VectorSubcoreMesh(core_axis_name="c", subcore_axis_name="s")
    run = pl.kernel(
        lambda *refs: _sc_body(n_per_w, *refs),
        out_type=jax.ShapeDtypeStruct((n,), jnp.float32),
        mesh=mesh,
        scratch_types=[
            pltpu.VMEM((CB_ROWS,), jnp.float32),
            pltpu.VMEM((2 * 2 * CHUNK,), jnp.float32),
            pltpu.VMEM((2 * CHUNK,), jnp.float32),
            pltpu.SemaphoreType.DMA,
            pltpu.SemaphoreType.DMA,
            pltpu.SemaphoreType.DMA,
        ],
        compiler_params=pltpu.CompilerParams(needs_layout_passes=False),
    )
    out = run(pts_flat, cb_flat)
    return out.reshape(n, 1)

# --- scband reference (transcript-rebuilt; emitter-appended) ---
"""Pipeline reference for scband-dense-grid-79087527789150 (READ-ONLY COPY).

The authoritative reference and input builder live on the scoring server;
editing this copy changes nothing except your own understanding.
"""

import jax, jax.numpy as jnp
import numpy as np

LOD = [50]
FEAT_DIM = 1
N_PTS = 1048576


def setup_inputs(seed: int = 0) -> dict:
    key = jax.random.key(seed)
    k1, k2 = jax.random.split(key)
    pts = jax.random.uniform(k1, (N_PTS, 2), dtype=jnp.float32)
    # learned parameter: codebook[0] of shape (LOD[0]**2, feat_dim), init ~ N(0, 0.1)
    codebook_0 = jax.random.normal(k2, (LOD[0] ** 2, FEAT_DIM), dtype=jnp.float32) * 0.1
    return {"pts": pts, "codebook_0": codebook_0}


def reference(pts, codebook_0):
    codebook = [codebook_0]
    feats = []
    features = None
    for i, res in enumerate(LOD):
        x = pts[:, 0] * (res - 1)
        x = jnp.floor(x).astype(jnp.int32)
        y = pts[:, 1] * (res - 1)
        y = jnp.floor(y).astype(jnp.int32)
        idx = x + y * res
        features = jnp.take(codebook[i], idx, axis=0)
    # NOTE: faithful to the original module, the append is OUTSIDE the loop
    feats.append(jnp.expand_dims(features, axis=-1))
    all_features = jnp.concatenate(feats, axis=-1)
    return all_features.sum(-1)

if __name__ == "__main__":
    import jax
    _d = setup_inputs()
    print(jax.jit(kernel)(*tuple(_d.values())))

</pallas_src>

<mosaic_0001>
#map = affine_map<(d0, d1) -> (0)>
module attributes {stable_mosaic.version = 14 : i64} {
  func.func @_lambda_(%arg0: i32, %arg1: i32, %arg2: memref<2097152xf32, #tpu.memory_space<hbm>>, %arg3: memref<2500xf32, #tpu.memory_space<hbm>>, %arg4: memref<1048576xf32, #tpu.memory_space<hbm>>, %arg5: memref<2500xf32, #tpu.memory_space<vmem>>, %arg6: memref<32768xf32, #tpu.memory_space<vmem>>, %arg7: memref<16384xf32, #tpu.memory_space<vmem>>, %arg8: memref<!tpu.dma_semaphore, #tpu.memory_space<semaphore_mem>>, %arg9: memref<!tpu.dma_semaphore, #tpu.memory_space<semaphore_mem>>, %arg10: memref<!tpu.dma_semaphore, #tpu.memory_space<semaphore_mem>>) attributes {dimension_semantics = [#tpu.dimension_semantics<core_parallel>, #tpu.dimension_semantics<subcore_parallel>], iteration_bounds = array<i64: 2, 16>, scalar_prefetch = 0 : i64, scratch_operands = 6 : i64, tpu.core_type = #tpu.core_type<sc_vector_subcore>, window_params = [{transform_indices = #map}, {transform_indices = #map}, {transform_indices = #map}]} {
    %mul3A = arith.constant 2 : i32
    %mul3A_0 = arith.muli %arg1, %mul3A : i32
    %add3A = arith.addi %mul3A_0, %arg0 : i32
    %mul3A_1 = arith.constant 32768 : i32
    %mul3A_2 = arith.muli %add3A, %mul3A_1 : i32
    tpu.enqueue_dma source(%arg3 : memref<2500xf32, #tpu.memory_space<hbm>>) target(%arg5 : memref<2500xf32, #tpu.memory_space<vmem>>) target_semaphore(%arg8 : memref<!tpu.dma_semaphore, #tpu.memory_space<semaphore_mem>>)
    %add3A_3 = arith.constant 0 : i32
    %add3A_4 = arith.addi %mul3A_2, %add3A_3 : i32
    %mul3A_5 = arith.constant 2 : i32
    %mul3A_6 = arith.muli %mul3A_5, %add3A_4 : i32
    %dma_start3A = arith.constant 0 : i32
    %dma_start3A_7 = tpu.memref_slice %arg6[%dma_start3A] : memref<32768xf32, #tpu.memory_space<vmem>> -> memref<16384xf32, #tpu.memory_space<vmem>>
    %dma_start3A_8 = tpu.memref_slice %arg2[%mul3A_6] : memref<2097152xf32, #tpu.memory_space<hbm>> -> memref<16384xf32, #tpu.memory_space<hbm>>
    %dma_start3A_9 = arith.constant 0 : i32
    %dma_start3A_10 = tpu.memref_slice %arg6[%dma_start3A_9] : memref<32768xf32, #tpu.memory_space<vmem>> -> memref<16384xf32, #tpu.memory_space<vmem>>
    %dma_start3A_11 = tpu.memref_slice %arg2[%mul3A_6] : memref<2097152xf32, #tpu.memory_space<hbm>> -> memref<16384xf32, #tpu.memory_space<hbm>>
    tpu.enqueue_dma source(%dma_start3A_11 : memref<16384xf32, #tpu.memory_space<hbm>>) target(%dma_start3A_10 : memref<16384xf32, #tpu.memory_space<vmem>>) target_semaphore(%arg9 : memref<!tpu.dma_semaphore, #tpu.memory_space<semaphore_mem>>)
    %add3A_12 = arith.constant 8192 : i32
    %add3A_13 = arith.addi %mul3A_2, %add3A_12 : i32
    %mul3A_14 = arith.constant 2 : i32
    %mul3A_15 = arith.muli %mul3A_14, %add3A_13 : i32
    %dma_start3A_16 = arith.constant 16384 : i32
    %dma_start3A_17 = tpu.memref_slice %arg6[%dma_start3A_16] : memref<32768xf32, #tpu.memory_space<vmem>> -> memref<16384xf32, #tpu.memory_space<vmem>>
    %dma_start3A_18 = tpu.memref_slice %arg2[%mul3A_15] : memref<2097152xf32, #tpu.memory_space<hbm>> -> memref<16384xf32, #tpu.memory_space<hbm>>
    %dma_start3A_19 = arith.constant 16384 : i32
    %dma_start3A_20 = tpu.memref_slice %arg6[%dma_start3A_19] : memref<32768xf32, #tpu.memory_space<vmem>> -> memref<16384xf32, #tpu.memory_space<vmem>>
    %dma_start3A_21 = tpu.memref_slice %arg2[%mul3A_15] : memref<2097152xf32, #tpu.memory_space<hbm>> -> memref<16384xf32, #tpu.memory_space<hbm>>
    tpu.enqueue_dma source(%dma_start3A_21 : memref<16384xf32, #tpu.memory_space<hbm>>) target(%dma_start3A_20 : memref<16384xf32, #tpu.memory_space<vmem>>) target_semaphore(%arg9 : memref<!tpu.dma_semaphore, #tpu.memory_space<semaphore_mem>>)
    tpu.wait_dma2 semaphore(%arg8 : memref<!tpu.dma_semaphore, #tpu.memory_space<semaphore_mem>>) src(%arg3 : memref<2500xf32, #tpu.memory_space<hbm>>) dst(%arg5 : memref<2500xf32, #tpu.memory_space<vmem>>)
    %scan3A = arith.constant 0 : i32
    %scan3A_22 = arith.constant 0 : i32
    %scan3A_23 = arith.constant 4 : i32
    %scan3A_24 = arith.addi %scan3A_22, %scan3A_23 : i32
    %scan3A_25 = arith.constant 1 : i32
    scf.for %scan3A_42 = %scan3A_22 to %scan3A_24 step %scan3A_25  : i32 {
      %rem3A = arith.constant 2 : i32
      %rem3A_43 = arith.remsi %scan3A_42, %rem3A : i32
      %mul3A_44 = arith.constant 8192 : i32
      %mul3A_45 = arith.muli %scan3A_42, %mul3A_44 : i32
      %add3A_46 = arith.addi %mul3A_2, %mul3A_45 : i32
      %mul3A_47 = arith.constant 2 : i32
      %mul3A_48 = arith.muli %mul3A_47, %add3A_46 : i32
      %mul3A_49 = arith.constant 2 : i32
      %mul3A_50 = arith.muli %rem3A_43, %mul3A_49 : i32
      %mul3A_51 = arith.constant 8192 : i32
      %mul3A_52 = arith.muli %mul3A_50, %mul3A_51 : i32
      %dma_wait3A_53 = tpu.memref_slice %arg6[%mul3A_52] : memref<32768xf32, #tpu.memory_space<vmem>> -> memref<16384xf32, #tpu.memory_space<vmem>>
      %dma_wait3A_54 = tpu.memref_slice %arg2[%mul3A_48] : memref<2097152xf32, #tpu.memory_space<hbm>> -> memref<16384xf32, #tpu.memory_space<hbm>>
      %dma_wait3A_55 = tpu.memref_slice %arg6[%mul3A_52] : memref<32768xf32, #tpu.memory_space<vmem>> -> memref<16384xf32, #tpu.memory_space<vmem>>
      %dma_wait3A_56 = tpu.memref_slice %arg2[%mul3A_48] : memref<2097152xf32, #tpu.memory_space<hbm>> -> memref<16384xf32, #tpu.memory_space<hbm>>
      tpu.wait_dma2 semaphore(%arg9 : memref<!tpu.dma_semaphore, #tpu.memory_space<semaphore_mem>>) src(%dma_wait3A_56 : memref<16384xf32, #tpu.memory_space<hbm>>) dst(%dma_wait3A_55 : memref<16384xf32, #tpu.memory_space<vmem>>)
      %ge3A = arith.constant 2 : i32
      %ge3A_57 = arith.cmpi sge, %scan3A_42, %ge3A : i32
      %convert_element_type3A = arith.extui %ge3A_57 : i1 to i32
      %cond3A = arith.constant 0 : i32
      %cond3A_58 = arith.cmpi ne, %convert_element_type3A, %cond3A : i32
      scf.if %cond3A_58 {
        %sub3A = arith.constant 2 : i32
        %sub3A_82 = arith.subi %scan3A_42, %sub3A : i32
        %mul3A_83 = arith.constant 8192 : i32
        %mul3A_84 = arith.muli %sub3A_82, %mul3A_83 : i32
        %add3A_85 = arith.addi %mul3A_2, %mul3A_84 : i32
        %mul3A_86 = arith.constant 8192 : i32
        %mul3A_87 = arith.muli %rem3A_43, %mul3A_86 : i32
        %dma_wait3A_88 = tpu.memref_slice %arg7[%mul3A_87] : memref<16384xf32, #tpu.memory_space<vmem>> -> memref<8192xf32, #tpu.memory_space<vmem>>
        %dma_wait3A_89 = tpu.memref_slice %arg4[%add3A_85] : memref<1048576xf32, #tpu.memory_space<hbm>> -> memref<8192xf32, #tpu.memory_space<hbm>>
        %dma_wait3A_90 = tpu.memref_slice %arg4[%add3A_85] : memref<1048576xf32, #tpu.memory_space<hbm>> -> memref<8192xf32, #tpu.memory_space<hbm>>
        %dma_wait3A_91 = tpu.memref_slice %arg7[%mul3A_87] : memref<16384xf32, #tpu.memory_space<vmem>> -> memref<8192xf32, #tpu.memory_space<vmem>>
        tpu.wait_dma2 semaphore(%arg10 : memref<!tpu.dma_semaphore, #tpu.memory_space<semaphore_mem>>) src(%dma_wait3A_91 : memref<8192xf32, #tpu.memory_space<vmem>>) dst(%dma_wait3A_90 : memref<8192xf32, #tpu.memory_space<hbm>>)
      } else {
      }
      %mul3A_59 = arith.constant 2 : i32
      %mul3A_60 = arith.muli %rem3A_43, %mul3A_59 : i32
      %mul3A_61 = arith.constant 8192 : i32
      %mul3A_62 = arith.muli %mul3A_60, %mul3A_61 : i32
      %mul3A_63 = arith.constant 8192 : i32
      %mul3A_64 = arith.muli %rem3A_43, %mul3A_63 : i32
      %parallel_loop3A = arith.constant 0 : i32
      %parallel_loop3A_65 = arith.constant 64 : i32
      %parallel_loop3A_66 = arith.constant 1 : i32
      scf.for %parallel_loop3A_82 = %parallel_loop3A to %parallel_loop3A_65 step %parallel_loop3A_66  : i32 {
        %parallel_loop3A_83 = arith.constant 2 : i32
        %parallel_loop3A_84 = arith.muli %parallel_loop3A_82, %parallel_loop3A_83 : i32
        %parallel_loop3A_85 = arith.constant 128 : i32
        %parallel_loop3A_86 = arith.muli %parallel_loop3A_84, %parallel_loop3A_85 : i32
        %parallel_loop3A_87 = arith.addi %mul3A_62, %parallel_loop3A_86 : i32
        %parallel_loop3A_88 = arith.constant 0 : i32
        %parallel_loop3A_89 = arith.addi %parallel_loop3A_87, %parallel_loop3A_88 : i32
        %parallel_loop3A_90 = arith.index_cast %parallel_loop3A_89 : i32 to index
        %parallel_loop3A_91 = tpu.vector_load %arg6[%parallel_loop3A_90] {strides = array<i32>} : memref<32768xf32, #tpu.memory_space<vmem>>, vector<16xf32>,
        %parallel_loop3A_92 = arith.constant 2 : i32
        %parallel_loop3A_93 = arith.muli %parallel_loop3A_82, %parallel_loop3A_92 : i32
        %parallel_loop3A_94 = arith.constant 128 : i32
        %parallel_loop3A_95 = arith.muli %parallel_loop3A_93, %parallel_loop3A_94 : i32
        %parallel_loop3A_96 = arith.addi %mul3A_62, %parallel_loop3A_95 : i32
        %parallel_loop3A_97 = arith.constant 128 : i32
        %parallel_loop3A_98 = arith.addi %parallel_loop3A_96, %parallel_loop3A_97 : i32
        %parallel_loop3A_99 = arith.constant 0 : i32
        %parallel_loop3A_100 = arith.addi %parallel_loop3A_98, %parallel_loop3A_99 : i32
        %parallel_loop3A_101 = arith.index_cast %parallel_loop3A_100 : i32 to index
        %parallel_loop3A_102 = tpu.vector_load %arg6[%parallel_loop3A_101] {strides = array<i32>} : memref<32768xf32, #tpu.memory_space<vmem>>, vector<16xf32>,
        %parallel_loop3A_103 = arith.constant 4.900000e+01 : f32
        %parallel_loop3A_104 = vector.broadcast %parallel_loop3A_103 : f32 to vector<16xf32>
        %parallel_loop3A_105 = arith.mulf %parallel_loop3A_91, %parallel_loop3A_104 : vector<16xf32>
        %parallel_loop3A_106 = arith.fptosi %parallel_loop3A_105 : vector<16xf32> to vector<16xi32>
        %parallel_loop3A_107 = arith.constant 4.900000e+01 : f32
        %parallel_loop3A_108 = vector.broadcast %parallel_loop3A_107 : f32 to vector<16xf32>
        %parallel_loop3A_109 = arith.mulf %parallel_loop3A_102, %parallel_loop3A_108 : vector<16xf32>
        %parallel_loop3A_110 = arith.fptosi %parallel_loop3A_109 : vector<16xf32> to vector<16xi32>
        %parallel_loop3A_111 = arith.constant 50 : i32
        %parallel_loop3A_112 = vector.broadcast %parallel_loop3A_111 : i32 to vector<16xi32>
        %parallel_loop3A_113 = arith.muli %parallel_loop3A_110, %parallel_loop3A_112 : vector<16xi32>
        %parallel_loop3A_114 = arith.addi %parallel_loop3A_106, %parallel_loop3A_113 : vector<16xi32>
        %parallel_loop3A_115 = tpu.vector_load_idx %arg5[%parallel_loop3A_114] : memref<2500xf32, #tpu.memory_space<vmem>>[vector<16xi32>], vector<16xf32>,
        %parallel_loop3A_116 = arith.constant 128 : i32
        %parallel_loop3A_117 = arith.muli %parallel_loop3A_82, %parallel_loop3A_116 : i32
        %parallel_loop3A_118 = arith.addi %mul3A_64, %parallel_loop3A_117 : i32
        %parallel_loop3A_119 = arith.constant 0 : i32
        %parallel_loop3A_120 = arith.addi %parallel_loop3A_118, %parallel_loop3A_119 : i32
        %parallel_loop3A_121 = arith.index_cast %parallel_loop3A_120 : i32 to index
        %parallel_loop3A_122 = tpu.vector_load %arg7[%parallel_loop3A_121] {strides = array<i32>} : memref<16384xf32, #tpu.memory_space<vmem>>, vector<16xf32>,
        tpu.vector_store %arg7[%parallel_loop3A_121], %parallel_loop3A_115 {strides = array<i32>} : memref<16384xf32, #tpu.memory_space<vmem>>, vector<16xf32>,
        %parallel_loop3A_123 = arith.constant 2 : i32
        %parallel_loop3A_124 = arith.muli %parallel_loop3A_82, %parallel_loop3A_123 : i32
        %parallel_loop3A_125 = arith.constant 128 : i32
        %parallel_loop3A_126 = arith.muli %parallel_loop3A_124, %parallel_loop3A_125 : i32
        %parallel_loop3A_127 = arith.addi %mul3A_62, %parallel_loop3A_126 : i32
        %parallel_loop3A_128 = arith.constant 16 : i32
        %parallel_loop3A_129 = arith.addi %parallel_loop3A_127, %parallel_loop3A_128 : i32
        %parallel_loop3A_130 = arith.index_cast %parallel_loop3A_129 : i32 to index
        %parallel_loop3A_131 = tpu.vector_load %arg6[%parallel_loop3A_130] {strides = array<i32>} : memref<32768xf32, #tpu.memory_space<vmem>>, vector<16xf32>,
        %parallel_loop3A_132 = arith.constant 2 : i32
        %parallel_loop3A_133 = arith.muli %parallel_loop3A_82, %parallel_loop3A_132 : i32
        %parallel_loop3A_134 = arith.constant 128 : i32
        %parallel_loop3A_135 = arith.muli %parallel_loop3A_133, %parallel_loop3A_134 : i32
        %parallel_loop3A_136 = arith.addi %mul3A_62, %parallel_loop3A_135 : i32
        %parallel_loop3A_137 = arith.constant 128 : i32
        %parallel_loop3A_138 = arith.addi %parallel_loop3A_136, %parallel_loop3A_137 : i32
        %parallel_loop3A_139 = arith.constant 16 : i32
        %parallel_loop3A_140 = arith.addi %parallel_loop3A_138, %parallel_loop3A_139 : i32
        %parallel_loop3A_141 = arith.index_cast %parallel_loop3A_140 : i32 to index
        %parallel_loop3A_142 = tpu.vector_load %arg6[%parallel_loop3A_141] {strides = array<i32>} : memref<32768xf32, #tpu.memory_space<vmem>>, vector<16xf32>,
        %parallel_loop3A_143 = arith.constant 4.900000e+01 : f32
        %parallel_loop3A_144 = vector.broadcast %parallel_loop3A_143 : f32 to vector<16xf32>
        %parallel_loop3A_145 = arith.mulf %parallel_loop3A_131, %parallel_loop3A_144 : vector<16xf32>
        %parallel_loop3A_146 = arith.fptosi %parallel_loop3A_145 : vector<16xf32> to vector<16xi32>
        %parallel_loop3A_147 = arith.constant 4.900000e+01 : f32
        %parallel_loop3A_148 = vector.broadcast %parallel_loop3A_147 : f32 to vector<16xf32>
        %parallel_loop3A_149 = arith.mulf %parallel_loop3A_142, %parallel_loop3A_148 : vector<16xf32>
        %parallel_loop3A_150 = arith.fptosi %parallel_loop3A_149 : vector<16xf32> to vector<16xi32>
        %parallel_loop3A_151 = arith.constant 50 : i32
        %parallel_loop3A_152 = vector.broadcast %parallel_loop3A_151 : i32 to vector<16xi32>
        %parallel_loop3A_153 = arith.muli %parallel_loop3A_150, %parallel_loop3A_152 : vector<16xi32>
        %parallel_loop3A_154 = arith.addi %parallel_loop3A_146, %parallel_loop3A_153 : vector<16xi32>
        %parallel_loop3A_155 = tpu.vector_load_idx %arg5[%parallel_loop3A_154] : memref<2500xf32, #tpu.memory_space<vmem>>[vector<16xi32>], vector<16xf32>,
        %parallel_loop3A_156 = arith.constant 128 : i32
        %parallel_loop3A_157 = arith.muli %parallel_loop3A_82, %parallel_loop3A_156 : i32
        %parallel_loop3A_158 = arith.addi %mul3A_64, %parallel_loop3A_157 : i32
        %parallel_loop3A_159 = arith.constant 16 : i32
        %parallel_loop3A_160 = arith.addi %parallel_loop3A_158, %parallel_loop3A_159 : i32
        %parallel_loop3A_161 = arith.index_cast %parallel_loop3A_160 : i32 to index
        %parallel_loop3A_162 = tpu.vector_load %arg7[%parallel_loop3A_161] {strides = array<i32>} : memref<16384xf32, #tpu.memory_space<vmem>>, vector<16xf32>,
        tpu.vector_store %arg7[%parallel_loop3A_161], %parallel_loop3A_155 {strides = array<i32>} : memref<16384xf32, #tpu.memory_space<vmem>>, vector<16xf32>,
        %parallel_loop3A_163 = arith.constant 2 : i32
        %parallel_loop3A_164 = arith.muli %parallel_loop3A_82, %parallel_loop3A_163 : i32
        %parallel_loop3A_165 = arith.constant 128 : i32
        %parallel_loop3A_166 = arith.muli %parallel_loop3A_164, %parallel_loop3A_165 : i32
        %parallel_loop3A_167 = arith.addi %mul3A_62, %parallel_loop3A_166 : i32
        %parallel_loop3A_168 = arith.constant 32 : i32
        %parallel_loop3A_169 = arith.addi %parallel_loop3A_167, %parallel_loop3A_168 : i32
        %parallel_loop3A_170 = arith.index_cast %parallel_loop3A_169 : i32 to index
        %parallel_loop3A_171 = tpu.vector_load %arg6[%parallel_loop3A_170] {strides = array<i32>} : memref<32768xf32, #tpu.memory_space<vmem>>, vector<16xf32>,
        %parallel_loop3A_172 = arith.constant 2 : i32
        %parallel_loop3A_173 = arith.muli %parallel_loop3A_82, %parallel_loop3A_172 : i32
        %parallel_loop3A_174 = arith.constant 128 : i32
        %parallel_loop3A_175 = arith.muli %parallel_loop3A_173, %parallel_loop3A_174 : i32
        %parallel_loop3A_176 = arith.addi %mul3A_62, %parallel_loop3A_175 : i32
        %parallel_loop3A_177 = arith.constant 128 : i32
        %parallel_loop3A_178 = arith.addi %parallel_loop3A_176, %parallel_loop3A_177 : i32
        %parallel_loop3A_179 = arith.constant 32 : i32
        %parallel_loop3A_180 = arith.addi %parallel_loop3A_178, %parallel_loop3A_179 : i32
        %parallel_loop3A_181 = arith.index_cast %parallel_loop3A_180 : i32 to index
        %parallel_loop3A_182 = tpu.vector_load %arg6[%parallel_loop3A_181] {strides = array<i32>} : memref<32768xf32, #tpu.memory_space<vmem>>, vector<16xf32>,
        %parallel_loop3A_183 = arith.constant 4.900000e+01 : f32
        %parallel_loop3A_184 = vector.broadcast %parallel_loop3A_183 : f32 to vector<16xf32>
        %parallel_loop3A_185 = arith.mulf %parallel_loop3A_171, %parallel_loop3A_184 : vector<16xf32>
        %parallel_loop3A_186 = arith.fptosi %parallel_loop3A_185 : vector<16xf32> to vector<16xi32>
        %parallel_loop3A_187 = arith.constant 4.900000e+01 : f32
        %parallel_loop3A_188 = vector.broadcast %parallel_loop3A_187 : f32 to vector<16xf32>
        %parallel_loop3A_189 = arith.mulf %parallel_loop3A_182, %parallel_loop3A_188 : vector<16xf32>
        %parallel_loop3A_190 = arith.fptosi %parallel_loop3A_189 : vector<16xf32> to vector<16xi32>
        %parallel_loop3A_191 = arith.constant 50 : i32
        %parallel_loop3A_192 = vector.broadcast %parallel_loop3A_191 : i32 to vector<16xi32>
        %parallel_loop3A_193 = arith.muli %parallel_loop3A_190, %parallel_loop3A_192 : vector<16xi32>
        %parallel_loop3A_194 = arith.addi %parallel_loop3A_186, %parallel_loop3A_193 : vector<16xi32>
        %parallel_loop3A_195 = tpu.vector_load_idx %arg5[%parallel_loop3A_194] : memref<2500xf32, #tpu.memory_space<vmem>>[vector<16xi32>], vector<16xf32>,
        %parallel_loop3A_196 = arith.constant 128 : i32
        %parallel_loop3A_197 = arith.muli %parallel_loop3A_82, %parallel_loop3A_196 : i32
        %parallel_loop3A_198 = arith.addi %mul3A_64, %parallel_loop3A_197 : i32
        %parallel_loop3A_199 = arith.constant 32 : i32
        %parallel_loop3A_200 = arith.addi %parallel_loop3A_198, %parallel_loop3A_199 : i32
        %parallel_loop3A_201 = arith.index_cast %parallel_loop3A_200 : i32 to index
        %parallel_loop3A_202 = tpu.vector_load %arg7[%parallel_loop3A_201] {strides = array<i32>} : memref<16384xf32, #tpu.memory_space<vmem>>, vector<16xf32>,
        tpu.vector_store %arg7[%parallel_loop3A_201], %parallel_loop3A_195 {strides = array<i32>} : memref<16384xf32, #tpu.memory_space<vmem>>, vector<16xf32>,
        %parallel_loop3A_203 = arith.constant 2 : i32
        %parallel_loop3A_204 = arith.muli %parallel_loop3A_82, %parallel_loop3A_203 : i32
        %parallel_loop3A_205 = arith.constant 128 : i32
        %parallel_loop3A_206 = arith.muli %parallel_loop3A_204, %parallel_loop3A_205 : i32
        %parallel_loop3A_207 = arith.addi %mul3A_62, %parallel_loop3A_206 : i32
        %parallel_loop3A_208 = arith.constant 48 : i32
        %parallel_loop3A_209 = arith.addi %parallel_loop3A_207, %parallel_loop3A_208 : i32
        %parallel_loop3A_210 = arith.index_cast %parallel_loop3A_209 : i32 to index
        %parallel_loop3A_211 = tpu.vector_load %arg6[%parallel_loop3A_210] {strides = array<i32>} : memref<32768xf32, #tpu.memory_space<vmem>>, vector<16xf32>,
        %parallel_loop3A_212 = arith.constant 2 : i32
        %parallel_loop3A_213 = arith.muli %parallel_loop3A_82, %parallel_loop3A_212 : i32
        %parallel_loop3A_214 = arith.constant 128 : i32
        %parallel_loop3A_215 = arith.muli %parallel_loop3A_213, %parallel_loop3A_214 : i32
        %parallel_loop3A_216 = arith.addi %mul3A_62, %parallel_loop3A_215 : i32
        %parallel_loop3A_217 = arith.constant 128 : i32
        %parallel_loop3A_218 = arith.addi %parallel_loop3A_216, %parallel_loop3A_217 : i32
        %parallel_loop3A_219 = arith.constant 48 : i32
        %parallel_loop3A_220 = arith.addi %parallel_loop3A_218, %parallel_loop3A_219 : i32
        %parallel_loop3A_221 = arith.index_cast %parallel_loop3A_220 : i32 to index
        %parallel_loop3A_222 = tpu.vector_load %arg6[%parallel_loop3A_221] {strides = array<i32>} : memref<32768xf32, #tpu.memory_space<vmem>>, vector<16xf32>,
        %parallel_loop3A_223 = arith.constant 4.900000e+01 : f32
        %parallel_loop3A_224 = vector.broadcast %parallel_loop3A_223 : f32 to vector<16xf32>
        %parallel_loop3A_225 = arith.mulf %parallel_loop3A_211, %parallel_loop3A_224 : vector<16xf32>
        %parallel_loop3A_226 = arith.fptosi %parallel_loop3A_225 : vector<16xf32> to vector<16xi32>
        %parallel_loop3A_227 = arith.constant 4.900000e+01 : f32
        %parallel_loop3A_228 = vector.broadcast %parallel_loop3A_227 : f32 to vector<16xf32>
        %parallel_loop3A_229 = arith.mulf %parallel_loop3A_222, %parallel_loop3A_228 : vector<16xf32>
        %parallel_loop3A_230 = arith.fptosi %parallel_loop3A_229 : vector<16xf32> to vector<16xi32>
        %parallel_loop3A_231 = arith.constant 50 : i32
        %parallel_loop3A_232 = vector.broadcast %parallel_loop3A_231 : i32 to vector<16xi32>
        %parallel_loop3A_233 = arith.muli %parallel_loop3A_230, %parallel_loop3A_232 : vector<16xi32>
        %parallel_loop3A_234 = arith.addi %parallel_loop3A_226, %parallel_loop3A_233 : vector<16xi32>
        %parallel_loop3A_235 = tpu.vector_load_idx %arg5[%parallel_loop3A_234] : memref<2500xf32, #tpu.memory_space<vmem>>[vector<16xi32>], vector<16xf32>,
        %parallel_loop3A_236 = arith.constant 128 : i32
        %parallel_loop3A_237 = arith.muli %parallel_loop3A_82, %parallel_loop3A_236 : i32
        %parallel_loop3A_238 = arith.addi %mul3A_64, %parallel_loop3A_237 : i32
        %parallel_loop3A_239 = arith.constant 48 : i32
        %parallel_loop3A_240 = arith.addi %parallel_loop3A_238, %parallel_loop3A_239 : i32
        %parallel_loop3A_241 = arith.index_cast %parallel_loop3A_240 : i32 to index
        %parallel_loop3A_242 = tpu.vector_load %arg7[%parallel_loop3A_241] {strides = array<i32>} : memref<16384xf32, #tpu.memory_space<vmem>>, vector<16xf32>,
        tpu.vector_store %arg7[%parallel_loop3A_241], %parallel_loop3A_235 {strides = array<i32>} : memref<16384xf32, #tpu.memory_space<vmem>>, vector<16xf32>,
        %parallel_loop3A_243 = arith.constant 2 : i32
        %parallel_loop3A_244 = arith.muli %parallel_loop3A_82, %parallel_loop3A_243 : i32
        %parallel_loop3A_245 = arith.constant 128 : i32
        %parallel_loop3A_246 = arith.muli %parallel_loop3A_244, %parallel_loop3A_245 : i32
        %parallel_loop3A_247 = arith.addi %mul3A_62, %parallel_loop3A_246 : i32
        %parallel_loop3A_248 = arith.constant 64 : i32
        %parallel_loop3A_249 = arith.addi %parallel_loop3A_247, %parallel_loop3A_248 : i32
        %parallel_loop3A_250 = arith.index_cast %parallel_loop3A_249 : i32 to index
        %parallel_loop3A_251 = tpu.vector_load %arg6[%parallel_loop3A_250] {strides = array<i32>} : memref<32768xf32, #tpu.memory_space<vmem>>, vector<16xf32>,
        %parallel_loop3A_252 = arith.constant 2 : i32
        %parallel_loop3A_253 = arith.muli %parallel_loop3A_82, %parallel_loop3A_252 : i32
        %parallel_loop3A_254 = arith.constant 128 : i32
        %parallel_loop3A_255 = arith.muli %parallel_loop3A_253, %parallel_loop3A_254 : i32
        %parallel_loop3A_256 = arith.addi %mul3A_62, %parallel_loop3A_255 : i32
        %parallel_loop3A_257 = arith.constant 128 : i32
        %parallel_loop3A_258 = arith.addi %parallel_loop3A_256, %parallel_loop3A_257 : i32
        %parallel_loop3A_259 = arith.constant 64 : i32
        %parallel_loop3A_260 = arith.addi %parallel_loop3A_258, %parallel_loop3A_259 : i32
        %parallel_loop3A_261 = arith.index_cast %parallel_loop3A_260 : i32 to index
        %parallel_loop3A_262 = tpu.vector_load %arg6[%parallel_loop3A_261] {strides = array<i32>} : memref<32768xf32, #tpu.memory_space<vmem>>, vector<16xf32>,
        %parallel_loop3A_263 = arith.constant 4.900000e+01 : f32
        %parallel_loop3A_264 = vector.broadcast %parallel_loop3A_263 : f32 to vector<16xf32>
        %parallel_loop3A_265 = arith.mulf %parallel_loop3A_251, %parallel_loop3A_264 : vector<16xf32>
        %parallel_loop3A_266 = arith.fptosi %parallel_loop3A_265 : vector<16xf32> to vector<16xi32>
        %parallel_loop3A_267 = arith.constant 4.900000e+01 : f32
        %parallel_loop3A_268 = vector.broadcast %parallel_loop3A_267 : f32 to vector<16xf32>
        %parallel_loop3A_269 = arith.mulf %parallel_loop3A_262, %parallel_loop3A_268 : vector<16xf32>
        %parallel_loop3A_270 = arith.fptosi %parallel_loop3A_269 : vector<16xf32> to vector<16xi32>
        %parallel_loop3A_271 = arith.constant 50 : i32
        %parallel_loop3A_272 = vector.broadcast %parallel_loop3A_271 : i32 to vector<16xi32>
        %parallel_loop3A_273 = arith.muli %parallel_loop3A_270, %parallel_loop3A_272 : vector<16xi32>
        %parallel_loop3A_274 = arith.addi %parallel_loop3A_266, %parallel_loop3A_273 : vector<16xi32>
        %parallel_loop3A_275 = tpu.vector_load_idx %arg5[%parallel_loop3A_274] : memref<2500xf32, #tpu.memory_space<vmem>>[vector<16xi32>], vector<16xf32>,
        %parallel_loop3A_276 = arith.constant 128 : i32
        %parallel_loop3A_277 = arith.muli %parallel_loop3A_82, %parallel_loop3A_276 : i32
        %parallel_loop3A_278 = arith.addi %mul3A_64, %parallel_loop3A_277 : i32
        %parallel_loop3A_279 = arith.constant 64 : i32
        %parallel_loop3A_280 = arith.addi %parallel_loop3A_278, %parallel_loop3A_279 : i32
        %parallel_loop3A_281 = arith.index_cast %parallel_loop3A_280 : i32 to index
        %parallel_loop3A_282 = tpu.vector_load %arg7[%parallel_loop3A_281] {strides = array<i32>} : memref<16384xf32, #tpu.memory_space<vmem>>, vector<16xf32>,
        tpu.vector_store %arg7[%parallel_loop3A_281], %parallel_loop3A_275 {strides = array<i32>} : memref<16384xf32, #tpu.memory_space<vmem>>, vector<16xf32>,
        %parallel_loop3A_283 = arith.constant 2 : i32
        %parallel_loop3A_284 = arith.muli %parallel_loop3A_82, %parallel_loop3A_283 : i32
        %parallel_loop3A_285 = arith.constant 128 : i32
        %parallel_loop3A_286 = arith.muli %parallel_loop3A_284, %parallel_loop3A_285 : i32
        %parallel_loop3A_287 = arith.addi %mul3A_62, %parallel_loop3A_286 : i32
        %parallel_loop3A_288 = arith.constant 80 : i32
        %parallel_loop3A_289 = arith.addi %parallel_loop3A_287, %parallel_loop3A_288 : i32
        %parallel_loop3A_290 = arith.index_cast %parallel_loop3A_289 : i32 to index
        %parallel_loop3A_291 = tpu.vector_load %arg6[%parallel_loop3A_290] {strides = array<i32>} : memref<32768xf32, #tpu.memory_space<vmem>>, vector<16xf32>,
        %parallel_loop3A_292 = arith.constant 2 : i32
        %parallel_loop3A_293 = arith.muli %parallel_loop3A_82, %parallel_loop3A_292 : i32
        %parallel_loop3A_294 = arith.constant 128 : i32
        %parallel_loop3A_295 = arith.muli %parallel_loop3A_293, %parallel_loop3A_294 : i32
        %parallel_loop3A_296 = arith.addi %mul3A_62, %parallel_loop3A_295 : i32
        %parallel_loop3A_297 = arith.constant 128 : i32
        %parallel_loop3A_298 = arith.addi %parallel_loop3A_296, %parallel_loop3A_297 : i32
        %parallel_loop3A_299 = arith.constant 80 : i32
        %parallel_loop3A_300 = arith.addi %parallel_loop3A_298, %parallel_loop3A_299 : i32
        %parallel_loop3A_301 = arith.index_cast %parallel_loop3A_300 : i32 to index
        %parallel_loop3A_302 = tpu.vector_load %arg6[%parallel_loop3A_301] {strides = array<i32>} : memref<32768xf32, #tpu.memory_space<vmem>>, vector<16xf32>,
        %parallel_loop3A_303 = arith.constant 4.900000e+01 : f32
        %parallel_loop3A_304 = vector.broadcast %parallel_loop3A_303 : f32 to vector<16xf32>
        %parallel_loop3A_305 = arith.mulf %parallel_loop3A_291, %parallel_loop3A_304 : vector<16xf32>
        %parallel_loop3A_306 = arith.fptosi %parallel_loop3A_305 : vector<16xf32> to vector<16xi32>
        %parallel_loop3A_307 = arith.constant 4.900000e+01 : f32
        %parallel_loop3A_308 = vector.broadcast %parallel_loop3A_307 : f32 to vector<16xf32>
        %parallel_loop3A_309 = arith.mulf %parallel_loop3A_302, %parallel_loop3A_308 : vector<16xf32>
        %parallel_loop3A_310 = arith.fptosi %parallel_loop3A_309 : vector<16xf32> to vector<16xi32>
        %parallel_loop3A_311 = arith.constant 50 : i32
        %parallel_loop3A_312 = vector.broadcast %parallel_loop3A_311 : i32 to vector<16xi32>
        %parallel_loop3A_313 = arith.muli %parallel_loop3A_310, %parallel_loop3A_312 : vector<16xi32>
        %parallel_loop3A_314 = arith.addi %parallel_loop3A_306, %parallel_loop3A_313 : vector<16xi32>
        %parallel_loop3A_315 = tpu.vector_load_idx %arg5[%parallel_loop3A_314] : memref<2500xf32, #tpu.memory_space<vmem>>[vector<16xi32>], vector<16xf32>,
        %parallel_loop3A_316 = arith.constant 128 : i32
        %parallel_loop3A_317 = arith.muli %parallel_loop3A_82, %parallel_loop3A_316 : i32
        %parallel_loop3A_318 = arith.addi %mul3A_64, %parallel_loop3A_317 : i32
        %parallel_loop3A_319 = arith.constant 80 : i32
        %parallel_loop3A_320 = arith.addi %parallel_loop3A_318, %parallel_loop3A_319 : i32
        %parallel_loop3A_321 = arith.index_cast %parallel_loop3A_320 : i32 to index
        %parallel_loop3A_322 = tpu.vector_load %arg7[%parallel_loop3A_321] {strides = array<i32>} : memref<16384xf32, #tpu.memory_space<vmem>>, vector<16xf32>,
        tpu.vector_store %arg7[%parallel_loop3A_321], %parallel_loop3A_315 {strides = array<i32>} : memref<16384xf32, #tpu.memory_space<vmem>>, vector<16xf32>,
        %parallel_loop3A_323 = arith.constant 2 : i32
        %parallel_loop3A_324 = arith.muli %parallel_loop3A_82, %parallel_loop3A_323 : i32
        %parallel_loop3A_325 = arith.constant 128 : i32
        %parallel_loop3A_326 = arith.muli %parallel_loop3A_324, %parallel_loop3A_325 : i32
        %parallel_loop3A_327 = arith.addi %mul3A_62, %parallel_loop3A_326 : i32
        %parallel_loop3A_328 = arith.constant 96 : i32
        %parallel_loop3A_329 = arith.addi %parallel_loop3A_327, %parallel_loop3A_328 : i32
        %parallel_loop3A_330 = arith.index_cast %parallel_loop3A_329 : i32 to index
        %parallel_loop3A_331 = tpu.vector_load %arg6[%parallel_loop3A_330] {strides = array<i32>} : memref<32768xf32, #tpu.memory_space<vmem>>, vector<16xf32>,
        %parallel_loop3A_332 = arith.constant 2 : i32
        %parallel_loop3A_333 = arith.muli %parallel_loop3A_82, %parallel_loop3A_332 : i32
        %parallel_loop3A_334 = arith.constant 128 : i32
        %parallel_loop3A_335 = arith.muli %parallel_loop3A_333, %parallel_loop3A_334 : i32
        %parallel_loop3A_336 = arith.addi %mul3A_62, %parallel_loop3A_335 : i32
        %parallel_loop3A_337 = arith.constant 128 : i32
        %parallel_loop3A_338 = arith.addi %parallel_loop3A_336, %parallel_loop3A_337 : i32
        %parallel_loop3A_339 = arith.constant 96 : i32
        %parallel_loop3A_340 = arith.addi %parallel_loop3A_338, %parallel_loop3A_339 : i32
        %parallel_loop3A_341 = arith.index_cast %parallel_loop3A_340 : i32 to index
        %parallel_loop3A_342 = tpu.vector_load %arg6[%parallel_loop3A_341] {strides = array<i32>} : memref<32768xf32, #tpu.memory_space<vmem>>, vector<16xf32>,
        %parallel_loop3A_343 = arith.constant 4.900000e+01 : f32
        %parallel_loop3A_344 = vector.broadcast %parallel_loop3A_343 : f32 to vector<16xf32>
        %parallel_loop3A_345 = arith.mulf %parallel_loop3A_331, %parallel_loop3A_344 : vector<16xf32>
        %parallel_loop3A_346 = arith.fptosi %parallel_loop3A_345 : vector<16xf32> to vector<16xi32>
        %parallel_loop3A_347 = arith.constant 4.900000e+01 : f32
        %parallel_loop3A_348 = vector.broadcast %parallel_loop3A_347 : f32 to vector<16xf32>
        %parallel_loop3A_349 = arith.mulf %parallel_loop3A_342, %parallel_loop3A_348 : vector<16xf32>
        %parallel_loop3A_350 = arith.fptosi %parallel_loop3A_349 : vector<16xf32> to vector<16xi32>
        %parallel_loop3A_351 = arith.constant 50 : i32
        %parallel_loop3A_352 = vector.broadcast %parallel_loop3A_351 : i32 to vector<16xi32>
        %parallel_loop3A_353 = arith.muli %parallel_loop3A_350, %parallel_loop3A_352 : vector<16xi32>
        %parallel_loop3A_354 = arith.addi %parallel_loop3A_346, %parallel_loop3A_353 : vector<16xi32>
        %parallel_loop3A_355 = tpu.vector_load_idx %arg5[%parallel_loop3A_354] : memref<2500xf32, #tpu.memory_space<vmem>>[vector<16xi32>], vector<16xf32>,
        %parallel_loop3A_356 = arith.constant 128 : i32
        %parallel_loop3A_357 = arith.muli %parallel_loop3A_82, %parallel_loop3A_356 : i32
        %parallel_loop3A_358 = arith.addi %mul3A_64, %parallel_loop3A_357 : i32
        %parallel_loop3A_359 = arith.constant 96 : i32
        %parallel_loop3A_360 = arith.addi %parallel_loop3A_358, %parallel_loop3A_359 : i32
        %parallel_loop3A_361 = arith.index_cast %parallel_loop3A_360 : i32 to index
        %parallel_loop3A_362 = tpu.vector_load %arg7[%parallel_loop3A_361] {strides = array<i32>} : memref<16384xf32, #tpu.memory_space<vmem>>, vector<16xf32>,
        tpu.vector_store %arg7[%parallel_loop3A_361], %parallel_loop3A_355 {strides = array<i32>} : memref<16384xf32, #tpu.memory_space<vmem>>, vector<16xf32>,
        %parallel_loop3A_363 = arith.constant 2 : i32
        %parallel_loop3A_364 = arith.muli %parallel_loop3A_82, %parallel_loop3A_363 : i32
        %parallel_loop3A_365 = arith.constant 128 : i32
        %parallel_loop3A_366 = arith.muli %parallel_loop3A_364, %parallel_loop3A_365 : i32
        %parallel_loop3A_367 = arith.addi %mul3A_62, %parallel_loop3A_366 : i32
        %parallel_loop3A_368 = arith.constant 112 : i32
        %parallel_loop3A_369 = arith.addi %parallel_loop3A_367, %parallel_loop3A_368 : i32
        %parallel_loop3A_370 = arith.index_cast %parallel_loop3A_369 : i32 to index
        %parallel_loop3A_371 = tpu.vector_load %arg6[%parallel_loop3A_370] {strides = array<i32>} : memref<32768xf32, #tpu.memory_space<vmem>>, vector<16xf32>,
        %parallel_loop3A_372 = arith.constant 2 : i32
        %parallel_loop3A_373 = arith.muli %parallel_loop3A_82, %parallel_loop3A_372 : i32
        %parallel_loop3A_374 = arith.constant 128 : i32
        %parallel_loop3A_375 = arith.muli %parallel_loop3A_373, %parallel_loop3A_374 : i32
        %parallel_loop3A_376 = arith.addi %mul3A_62, %parallel_loop3A_375 : i32
        %parallel_loop3A_377 = arith.constant 128 : i32
        %parallel_loop3A_378 = arith.addi %parallel_loop3A_376, %parallel_loop3A_377 : i32
        %parallel_loop3A_379 = arith.constant 112 : i32
        %parallel_loop3A_380 = arith.addi %parallel_loop3A_378, %parallel_loop3A_379 : i32
        %parallel_loop3A_381 = arith.index_cast %parallel_loop3A_380 : i32 to index
        %parallel_loop3A_382 = tpu.vector_load %arg6[%parallel_loop3A_381] {strides = array<i32>} : memref<32768xf32, #tpu.memory_space<vmem>>, vector<16xf32>,
        %parallel_loop3A_383 = arith.constant 4.900000e+01 : f32
        %parallel_loop3A_384 = vector.broadcast %parallel_loop3A_383 : f32 to vector<16xf32>
        %parallel_loop3A_385 = arith.mulf %parallel_loop3A_371, %parallel_loop3A_384 : vector<16xf32>
        %parallel_loop3A_386 = arith.fptosi %parallel_loop3A_385 : vector<16xf32> to vector<16xi32>
        %parallel_loop3A_387 = arith.constant 4.900000e+01 : f32
        %parallel_loop3A_388 = vector.broadcast %parallel_loop3A_387 : f32 to vector<16xf32>
        %parallel_loop3A_389 = arith.mulf %parallel_loop3A_382, %parallel_loop3A_388 : vector<16xf32>
        %parallel_loop3A_390 = arith.fptosi %parallel_loop3A_389 : vector<16xf32> to vector<16xi32>
        %parallel_loop3A_391 = arith.constant 50 : i32
        %parallel_loop3A_392 = vector.broadcast %parallel_loop3A_391 : i32 to vector<16xi32>
        %parallel_loop3A_393 = arith.muli %parallel_loop3A_390, %parallel_loop3A_392 : vector<16xi32>
        %parallel_loop3A_394 = arith.addi %parallel_loop3A_386, %parallel_loop3A_393 : vector<16xi32>
        %parallel_loop3A_395 = tpu.vector_load_idx %arg5[%parallel_loop3A_394] : memref<2500xf32, #tpu.memory_space<vmem>>[vector<16xi32>], vector<16xf32>,
        %parallel_loop3A_396 = arith.constant 128 : i32
        %parallel_loop3A_397 = arith.muli %parallel_loop3A_82, %parallel_loop3A_396 : i32
        %parallel_loop3A_398 = arith.addi %mul3A_64, %parallel_loop3A_397 : i32
        %parallel_loop3A_399 = arith.constant 112 : i32
        %parallel_loop3A_400 = arith.addi %parallel_loop3A_398, %parallel_loop3A_399 : i32
        %parallel_loop3A_401 = arith.index_cast %parallel_loop3A_400 : i32 to index
        %parallel_loop3A_402 = tpu.vector_load %arg7[%parallel_loop3A_401] {strides = array<i32>} : memref<16384xf32, #tpu.memory_space<vmem>>, vector<16xf32>,
        tpu.vector_store %arg7[%parallel_loop3A_401], %parallel_loop3A_395 {strides = array<i32>} : memref<16384xf32, #tpu.memory_space<vmem>>, vector<16xf32>,
      } {sc.loop_unroll_factor = 2 : i64, sc.parallel_access}
      %mul3A_67 = arith.constant 8192 : i32
      %mul3A_68 = arith.muli %scan3A_42, %mul3A_67 : i32
      %add3A_69 = arith.addi %mul3A_2, %mul3A_68 : i32
      %mul3A_70 = arith.constant 8192 : i32
      %mul3A_71 = arith.muli %rem3A_43, %mul3A_70 : i32
      %dma_start3A_72 = tpu.memref_slice %arg7[%mul3A_71] : memref<16384xf32, #tpu.memory_space<vmem>> -> memref<8192xf32, #tpu.memory_space<vmem>>
      %dma_start3A_73 = tpu.memref_slice %arg4[%add3A_69] : memref<1048576xf32, #tpu.memory_space<hbm>> -> memref<8192xf32, #tpu.memory_space<hbm>>
      %dma_start3A_74 = tpu.memref_slice %arg4[%add3A_69] : memref<1048576xf32, #tpu.memory_space<hbm>> -> memref<8192xf32, #tpu.memory_space<hbm>>
      %dma_start3A_75 = tpu.memref_slice %arg7[%mul3A_71] : memref<16384xf32, #tpu.memory_space<vmem>> -> memref<8192xf32, #tpu.memory_space<vmem>>
      tpu.enqueue_dma source(%dma_start3A_75 : memref<8192xf32, #tpu.memory_space<vmem>>) target(%dma_start3A_74 : memref<8192xf32, #tpu.memory_space<hbm>>) target_semaphore(%arg10 : memref<!tpu.dma_semaphore, #tpu.memory_space<semaphore_mem>>)
      %add3A_76 = arith.constant 2 : i32
      %add3A_77 = arith.addi %scan3A_42, %add3A_76 : i32
      %lt3A = arith.constant 4 : i32
      %lt3A_78 = arith.cmpi slt, %add3A_77, %lt3A : i32
      %convert_element_type3A_79 = arith.extui %lt3A_78 : i1 to i32
      %cond3A_80 = arith.constant 0 : i32
      %cond3A_81 = arith.cmpi ne, %convert_element_type3A_79, %cond3A_80 : i32
      scf.if %cond3A_81 {
        %add3A_82 = arith.constant 2 : i32
        %add3A_83 = arith.addi %scan3A_42, %add3A_82 : i32
        %mul3A_84 = arith.constant 8192 : i32
        %mul3A_85 = arith.muli %add3A_83, %mul3A_84 : i32
        %add3A_86 = arith.addi %mul3A_2, %mul3A_85 : i32
        %mul3A_87 = arith.constant 2 : i32
        %mul3A_88 = arith.muli %mul3A_87, %add3A_86 : i32
        %mul3A_89 = arith.constant 2 : i32
        %mul3A_90 = arith.muli %rem3A_43, %mul3A_89 : i32
        %mul3A_91 = arith.constant 8192 : i32
        %mul3A_92 = arith.muli %mul3A_90, %mul3A_91 : i32
        %dma_start3A_93 = tpu.memref_slice %arg6[%mul3A_92] : memref<32768xf32, #tpu.memory_space<vmem>> -> memref<16384xf32, #tpu.memory_space<vmem>>
        %dma_start3A_94 = tpu.memref_slice %arg2[%mul3A_88] : memref<2097152xf32, #tpu.memory_space<hbm>> -> memref<16384xf32, #tpu.memory_space<hbm>>
        %dma_start3A_95 = tpu.memref_slice %arg6[%mul3A_92] : memref<32768xf32, #tpu.memory_space<vmem>> -> memref<16384xf32, #tpu.memory_space<vmem>>
        %dma_start3A_96 = tpu.memref_slice %arg2[%mul3A_88] : memref<2097152xf32, #tpu.memory_space<hbm>> -> memref<16384xf32, #tpu.memory_space<hbm>>
        tpu.enqueue_dma source(%dma_start3A_96 : memref<16384xf32, #tpu.memory_space<hbm>>) target(%dma_start3A_95 : memref<16384xf32, #tpu.memory_space<vmem>>) target_semaphore(%arg9 : memref<!tpu.dma_semaphore, #tpu.memory_space<semaphore_mem>>)
      } else {
      }
    }
    %scan3A_26 = arith.constant 4 : i32
    %add3A_27 = arith.constant 16384 : i32
    %add3A_28 = arith.addi %mul3A_2, %add3A_27 : i32
    %dma_wait3A = arith.constant 0 : i32
    %dma_wait3A_29 = tpu.memref_slice %arg7[%dma_wait3A] : memref<16384xf32, #tpu.memory_space<vmem>> -> memref<8192xf32, #tpu.memory_space<vmem>>
    %dma_wait3A_30 = tpu.memref_slice %arg4[%add3A_28] : memref<1048576xf32, #tpu.memory_space<hbm>> -> memref<8192xf32, #tpu.memory_space<hbm>>
    %dma_wait3A_31 = tpu.memref_slice %arg4[%add3A_28] : memref<1048576xf32, #tpu.memory_space<hbm>> -> memref<8192xf32, #tpu.memory_space<hbm>>
    %dma_wait3A_32 = arith.constant 0 : i32
    %dma_wait3A_33 = tpu.memref_slice %arg7[%dma_wait3A_32] : memref<16384xf32, #tpu.memory_space<vmem>> -> memref<8192xf32, #tpu.memory_space<vmem>>
    tpu.wait_dma2 semaphore(%arg10 : memref<!tpu.dma_semaphore, #tpu.memory_space<semaphore_mem>>) src(%dma_wait3A_33 : memref<8192xf32, #tpu.memory_space<vmem>>) dst(%dma_wait3A_31 : memref<8192xf32, #tpu.memory_space<hbm>>)
    %add3A_34 = arith.constant 24576 : i32
    %add3A_35 = arith.addi %mul3A_2, %add3A_34 : i32
    %dma_wait3A_36 = arith.constant 8192 : i32
    %dma_wait3A_37 = tpu.memref_slice %arg7[%dma_wait3A_36] : memref<16384xf32, #tpu.memory_space<vmem>> -> memref<8192xf32, #tpu.memory_space<vmem>>
    %dma_wait3A_38 = tpu.memref_slice %arg4[%add3A_35] : memref<1048576xf32, #tpu.memory_space<hbm>> -> memref<8192xf32, #tpu.memory_space<hbm>>
    %dma_wait3A_39 = tpu.memref_slice %arg4[%add3A_35] : memref<1048576xf32, #tpu.memory_space<hbm>> -> memref<8192xf32, #tpu.memory_space<hbm>>
    %dma_wait3A_40 = arith.constant 8192 : i32
    %dma_wait3A_41 = tpu.memref_slice %arg7[%dma_wait3A_40] : memref<16384xf32, #tpu.memory_space<vmem>> -> memref<8192xf32, #tpu.memory_space<vmem>>
    tpu.wait_dma2 semaphore(%arg10 : memref<!tpu.dma_semaphore, #tpu.memory_space<semaphore_mem>>) src(%dma_wait3A_41 : memref<8192xf32, #tpu.memory_space<vmem>>) dst(%dma_wait3A_39 : memref<8192xf32, #tpu.memory_space<hbm>>)
    return
  }
}

</mosaic_0001>

<sc_bundles>
// kernel: kernel.3.cloned.1.call-start
scs
__scs_entry_jumppad:
0x0: {  	(pc) =	sbr.rel $0x88, $3  }
0x1: {  	(tag) =	ssettag $0x0;
	lr =	simm.s32 $0x1  }
0x2: {  	[smem:$0x3F9F] =	sst lr;
	_ =	strace $0xD0000000  }
0x3: {  	_ = 	snop  }
0x4: {  	_ = 	snop  }
0x5: {  	_ = 	snop  }
0x6: {  	_ = 	snop  }
0x7: {  	_ = 	snop  }
__scs_overlays_trampoline_lowered:
0x8: {  	[smem:$0x3FAE] =	sst s0  }
0x9: {  	[smem:$0x3FAF] =	sst s1  }
0xa: {  	[smem:$0x3FB0] =	sst s2  }
0xb: {  	[smem:$0x3FB1] =	sst s3  }
0xc: {  	[smem:$0x3FB2] =	sst s4  }
0xd: {  	[smem:$0x3FB3] =	sst s5  }
0xe: {  	[smem:$0x3FB4] =	sst s6  }
0xf: {  	[smem:$0x3FB5] =	sst s7  }
0x10: {  	[smem:$0x3FB6] =	sst s8  }
0x11: {  	[smem:$0x3FB7] =	sst s9;
	s0 =	simm.s32 @!p0 $0x0  }
0x12: {  	s1 =	sld [smem:$0x3F9D];
	s0 =	simm.s32 @p0 $0x1  }
0x13: {  	[smem:$0x3FB8] =	sst s0;
	s0 =	simm.s32 @!p1 $0x0  }
0x14: {  	s2 =	sld [smem:$0x3F9C];
	s0 =	simm.s32 @p1 $0x1  }
0x15: {  	[smem:$0x3FB9] =	sst s0;
	s0 =	simm.s32 @!p2 $0x0  }
0x16: {  	s3 =	sld [smem:$0x3FDB];
	s0 =	simm.s32 @p2 $0x1  }
0x17: {  	s4 =	simm.s32 $0x1BF5;
	[smem:$0x3FBB] =	sst s0  }
0x18: {  	s0 =	sld [smem:$0x3F9E];
	_ =	swait.ge [sflag:s4], $0x0  }
0x19: {  	s7 =	sld [smem:$0x3F9F]  }
0x1a: {  	s8 =	sadd.s32 $0xFFFFE003, lr  }
0x1b: {  	s9 =	sadd.s32 $0xFFFFFEF7, lr;
	s5 =	simm.s32 $0xFFFFFFFF;
	p2 =	slt.u32 s8, $0xFFFFF086  }
0x1c: {  	p1 =	slt.u32 s9, $0xF7A;
	s5 =	simm.s32 @!p2 $0x0  }
0x1d: {  	s5 =	simm.s32 @p1 $0x1;
	p0 =	seq.s32 s7, s2  }
0x1e: {  	s7 =	smul.u32 @!p0 $0xF7A, s2;
	p2 =	seq.s32 @!p0 s5, $0x0  }
0x1f: {  	s9 =	smul.u32 $0xF7A, s1;
	s8 =	simm.s32 @!p0 $0x1BF5;
	p2 =	por !p2, p0  }
0x20: {  	[sflag:s8] =	ssyncset.s32 @!p0 $0xFFFFF086;
	s6 =	sadd.s32 @!p0 s3, s7;
	s7 =	simm.s32 @!p0 $0x108  }
0x21: {  	s3 =	sadd.s32 s3, s9;
	s6 =	sadd.s32 @!p0 $0x88, s6;
	s7 =	simm.s32 @p2 $0x1082  }
0x22: {  	[simem:s7], [sflag:s8] =	dma.local @!p0 [hbm:s6], $0xF7A  }
0x23: {  	s9 =	sor.u32 $0xD0000000, s2;
	s6 =	simm.s32 $0x108;
	_ =	swait.ge @!p0 [sflag:s8], $0x0  }
0x24: {  	s3 =	sadd.s32 $0x88, s3;
	s6 =	simm.s32 @!p1 $0x1082;
	[sflag:s4] =	ssyncset.s32 $0xFFFFF086  }
0x25: {  	[simem:s6], [sflag:s4] =	dma.local [hbm:s3], $0xF7A  }
0x26: {  	[smem:$0x3F9F] =	sst s1;
	(tag) =	ssettag s2;
	_ =	strace s9  }
0x27: {  	s1 =	sld [smem:$0x3FAF]  }
0x28: {  	s2 =	sld [smem:$0x3FB0]  }
0x29: {  	s4 =	sld [smem:$0x3FB2]  }
0x2a: {  	p0 =	seq.s32 s5, $0x0;
	s5 =	sld [smem:$0x3FB3]  }
0x2b: {  	s6 =	sld [smem:$0x3FB4]  }
0x2c: {  	s7 =	sld [smem:$0x3FB5]  }
0x2d: {  	s3 =	simm.s32 $0x108;
	s8 =	sld [smem:$0x3FB6]  }
0x2e: {  	s3 =	simm.s32 @!p0 $0x1082;
	s9 =	sld [smem:$0x3FB7]  }
0x2f: {  	lr =	sadd.s32 s0, s3;
	s0 =	sld [smem:$0x3FAE]  }
0x30: {  	s3 =	sld [smem:$0x3FB1]  }
0x31: {  	[smem:$0x3FBA] =	sst s10  }
0x32: {  	s10 =	sld [smem:$0x3FB8];
	_ =	sdelay $0x3  }
0x33: {  	p0 =	seq.s32 s10, $0x1;
	s10 =	sld [smem:$0x3FBA];
	_ =	sdelay $0x3  }
0x34: {  	[smem:$0x3FBA] =	sst s10  }
0x35: {  	s10 =	sld [smem:$0x3FB9];
	_ =	sdelay $0x3  }
0x36: {  	p1 =	seq.s32 s10, $0x1;
	s10 =	sld [smem:$0x3FBA];
	_ =	sdelay $0x3  }
0x37: {  	[smem:$0x3FBA] =	sst s10  }
0x38: {  	s10 =	sld [smem:$0x3FBB]  }
0x39: {  	_ = 	snop;
	(pc) =	sbr.ind lr, $3  }
0x3a: {  	_ = 	snop  }
0x3b: {  	_ = 	snop  }
0x3c: {  	p2 =	seq.s32 s10, $0x1;
	s10 =	sld [smem:$0x3FBA]  }
0x3d: {  	_ =	shalt  }
0x3e: {  	_ =	shalt  }
0x3f: {  	_ =	shalt  }
0x40: {  	_ =	shalt  }
0x41: {  	_ =	shalt  }
0x42: {  	_ =	shalt  }
0x43: {  	_ =	shalt  }
0x44: {  	_ =	shalt  }
0x45: {  	_ =	shalt  }
0x46: {  	_ =	shalt  }
0x47: {  	_ =	shalt  }
0x48: {  	_ =	shalt  }
0x49: {  	_ =	shalt  }
0x4a: {  	_ =	shalt  }
0x4b: {  	_ =	shalt  }
0x4c: {  	_ =	shalt  }
0x4d: {  	_ =	shalt  }
0x4e: {  	_ =	shalt  }
0x4f: {  	_ =	shalt  }
0x50: {  	_ =	shalt  }
0x51: {  	_ =	shalt  }
0x52: {  	_ =	shalt  }
0x53: {  	_ =	shalt  }
0x54: {  	_ =	shalt  }
0x55: {  	_ =	shalt  }
0x56: {  	_ =	shalt  }
0x57: {  	_ =	shalt  }
0x58: {  	_ =	shalt  }
0x59: {  	_ =	shalt  }
0x5a: {  	_ =	shalt  }
0x5b: {  	_ =	shalt  }
0x5c: {  	_ =	shalt  }
0x5d: {  	_ =	shalt  }
0x5e: {  	_ =	shalt  }
0x5f: {  	_ =	shalt  }
0x60: {  	_ =	shalt  }
0x61: {  	_ =	shalt  }
0x62: {  	_ =	shalt  }
0x63: {  	_ =	shalt  }
0x64: {  	_ =	shalt  }
0x65: {  	_ =	shalt  }
0x66: {  	_ =	shalt  }
0x67: {  	_ =	shalt  }
0x68: {  	_ =	shalt  }
0x69: {  	_ =	shalt  }
0x6a: {  	_ =	shalt  }
0x6b: {  	_ =	shalt  }
0x6c: {  	_ =	shalt  }
0x6d: {  	_ =	shalt  }
0x6e: {  	_ =	shalt  }
0x6f: {  	_ =	shalt  }
0x70: {  	_ =	shalt  }
0x71: {  	_ =	shalt  }
0x72: {  	_ =	shalt  }
0x73: {  	_ =	shalt  }
0x74: {  	_ =	shalt  }
0x75: {  	_ =	shalt  }
0x76: {  	_ =	shalt  }
0x77: {  	_ =	shalt  }
0x78: {  	_ =	shalt  }
0x79: {  	_ =	shalt  }
0x7a: {  	_ =	shalt  }
0x7b: {  	_ =	shalt  }
0x7c: {  	_ =	shalt  }
0x7d: {  	_ =	shalt  }
0x7e: {  	_ =	shalt  }
0x7f: {  	_ =	shalt  }
0x80: {  	_ =	shalt  }
0x81: {  	_ =	shalt  }
0x82: {  	_ =	shalt  }
0x83: {  	_ =	shalt  }
0x84: {  	_ =	shalt  }
0x85: {  	_ =	shalt  }
0x86: {  	_ =	shalt  }
0x87: {  	_ =	shalt  }
.Lfunc_end0:
.L_simem_size_0:
called_computation_lowered:
.L_overlay_start_0:
0x88: {  	s2 =	sld [smem:$0x3FD9]  }
0x89: {  	s3 =	sld [smem:$0x3FFE];
	_ =	sdelay $0x1  }
0x8a: {  	s1 =	srdreg.scid  }
0x8b: {  	s0 =	sand.u32 $0x1, s1  }
0x8c: {  	s17 =	sshll.u32 s0, $0xA;
	s2 =	sadd.s32 s3, s2  }
0x8d: {  	s2 =	sadd.s32 s2, s17  }
0x8e: {  	[smem:$0x3FC6] =	sst s2  }
0x8f: {  	_ = 	snop  }
0x90: {  	s2 =	sld [smem:$0x3FC9]  }
0x91: {  	s18 =	sld [smem:$0x3FD0];
	(tm) =	ssettm $0x1  }
0x92: {  	s4 =	sld [smem:$0x3FFB];
	_ =	sdelay $0x3  }
0x93: {  	_ =	strace s4  }
0x94: {  	s4 =	sld [smem:$0x3FFC];
	_ =	sdelay $0x3  }
0x95: {  	_ =	strace s4  }
0x96: {  	s4 =	sld [smem:$0x3FFD];
	_ =	sdelay $0x3  }
0x97: {  	_ =	strace s4  }
0x98: {  	_ =	strace $0x8FFFFFFF  }
0x99: {  	s19 =	sld [smem:$0x3FDB];
	_ =	sdelay $0x1  }
0x9a: {  	s5 =	simm.s32 $_scs_section_size  }
0x9b: {  	s6 =	simm.s32 $_size__tile_overlayer_lowered;
	s7 =	simm.s32 $_tile_overlayer_lowered  }
0x9c: {  	s22 =	simm.s32 $0x1BFF;
	s21 =	sshll.u32 s7, $0x1;
	s4 =	sadd.s32 s5, s19  }
0x9d: {  	s8 =	simm.s32 $0x0;
	s20 =	sshll.u32 s6, $0x1;
	s6 =	sadd.s32 s21, s4  }
0x9e: {  	[timem:s8], [sflag:s22] =	dma.local [hbm:s6], s20  }
0x9f: {  	_ =	swait.ge [sflag:s22], s20  }
0xa0: {  	s5 =	ssub.s32 $0x0, s20;
	[sflag:s22] =	ssyncset.done $0x0  }
0xa1: {  	[sflag:s22] =	ssyncadd.s32 s5;
	_ =	sdelay $0x1  }
0xa2: {  	s23 =	simm.s32 $0x1B8B  }
0xa3: {  	_ =	swait.ge [sflag:s23], $0x1  }
0xa4: {  	[sflag:s23] =	ssyncset.done $0x0  }
0xa5: {  	s25 =	simm.s32 $0x1B8E;
	s24 =	sld [smem:$0x3FFE];
	[sflag:s23] =	ssyncadd.s32 $0xFFFFFFFF  }
0xa6: {  	s26 =	simm.s32 $execute0_lowered;
	[smem:$0x3FD2] =	sst s25  }
0xa7: {  	s6 =	sshll.u32 s26, $0x1;
	_ =	strace $0x80000046;
	[dreg:$0x1] =	wrdreg $0xFFFFFFFF  }
0xa8: {  	s28 =	simm.s32 $_size_execute0_lowered;
	s4 =	sadd.s32 s4, s6;
	[dreg:$0x0] =	wrdreg $0x0  }
0xa9: {  	s6 =	sshll.u32 s28, $0x1;
	[dreg:$0x2] =	wrdreg s4  }
0xaa: {  	[dreg:$0x3] =	wrdreg s6  }
0xab: {  	[dreg:$0x4] =	wrdreg $0xC0  }
0xac: {  	_ =	task [dreg:s8], $0x5FFFF  }
0xad: {  	[dreg:$0x1] =	wrdreg $0xFFFFFFFF  }
0xae: {  	[dreg:$0x0] =	wrdreg $0x60  }
0xaf: {  	[dreg:$0x2] =	wrdreg s2  }
0xb0: {  	[dreg:$0x3] =	wrdreg s24  }
0xb1: {  	[dreg:$0x4] =	wrdreg s18  }
0xb2: {  	[dreg:$0x5] =	wrdreg $0x9  }
0xb3: {  	_ =	task.clear_ibuf [dreg:s8], $0x6FFFF;
	_ =	strace $0x90000046  }
0xb4: {  	s29 =	simm.s32 $0x9;
	_ =	strace $0x80000048  }
0xb5: {  	_ =	swait.ge [sflag:s29], $0x1  }
0xb6: {  	[sflag:s29] =	ssyncadd.s32 $0xFFFFFFFF  }
0xb7: {  	_ =	strace $0x90000048  }
0xb8: {  	_ =	sfence  }
0xb9: {  	s30 =	sld [smem:$0x0];
	_ =	sdelay $0x2  }
0xba: {  	s31 =	sshll.u32 s1, $0xD;
	s1 =	sshrl.u32 s1, $0x2  }
0xbb: {  	s3 =	sand.u32 $0x4000, s31;
	s1 =	sadd.s32 s1, s30  }
0xbc: {  	s0 =	sor.u32 s3, s0;
	s1 =	sshll.u32 s1, $0x11  }
0xbd: {  	s0 =	sor.u32 s1, s0  }
0xbe: {  	s0 =	sadd.s32 $0x8F2B, s0  }
0xbf: {  	[sflag:s0] =	ssyncadd.remote.s32 $0x1  }
0xc0: {  	_ =	sfence.sel $0xFFFF  }
0xc1: {  	[dreg:$0x0] =	wrdreg $0xFFFFFFFF;
	(pc) =	sbr.abs _section_cstart, $3  }
0xc2: {  	[dreg:$0x1] =	wrdreg $0xFFFFFFFF  }
0xc3: {  	_ =	task.clear_ibuf [dreg:s8], $0x2FFFF;
	_ =	strace $0x9FFFFFFF  }
0xc4: {  	(tm) =	ssettm $0x7FFFFFFF  }
0xc5: {  	_ =	shalt  }
tec
execute0_lowered:
.L_overlay_start_1:
0x0: {  	(tag) =	ssettag $0x1  }
0x1: {  	s0 =	rddreg [dreg:$0x0];
	s1 =	srdreg.scid  }
0x2: {  	s3 =	stileid.u32;
	s2 =	rddreg [dreg:$0x2];
	s9 =	simm.s32 $0xA00  }
0x3: {  	s10 =	simm.s32 $0x4A00;
	s11 =	simm.s32 $0x1;
	s12 =	simm.s32 $0x2  }
0x4: {  	s13 =	simm.s32 $0x3;
	s1 =	sand.u32 $0x1, s1;
	s4 =	sshll.u32 s3, $0x1  }
0x5: {  	s14 =	simm.s32 $0x0;
	s3 =	simm.s32 $0x0;
	s5 =	sor.u32 s1, s4  }
0x6: {  	[smem:$0x7FF] =	sst s3;
	s1 =	ssub.s32 $0x2, s1;
	s4 =	sshll.u32 s5, $0xD  }
0x7: {  	_ =	strace $0x80000047;
	s6 =	sshrl.u32 s1, $0x1;
	s31 =	sshll.u32 s5, $0xC  }
0x8: {  	s4 =	sadd.s32 s0, s4;
	s30 =	ssub.s32 s1, s6;
	s6 =	sadd.s32 s2, s31  }
0x9: {  	s5 =	sadd.s32 $0x800, s4;
	s7 =	sadd.s32 $0x1000, s4;
	s8 =	smax.u32 s30, $0x1  }
.LBB2_1:
0xa: {  	s0 =	rddreg [dreg:$0x1]  }
0xb: {  	[tilespmem:s3], [sflag:$0x1] =	stream.linear.gather [hbm4b:s0+s3], $0xA00, $0x38;
	[tilespmem:$0xCA00] =	vst v63  }
0xc: {  	_ = 	snop  }
0xd: {  	[tilespmem:s9], [sflag:$0x2] =	stream.linear.gather [hbm4b:s4+s3], $0x4000, $0x38;
	[tilespmem:$0xCA00] =	vst v63  }
0xe: {  	_ = 	snop  }
0xf: {  	[tilespmem:s10], [sflag:$0x2] =	stream.linear.gather [hbm4b:s5+s3], $0x4000, $0x38;
	[tilespmem:$0xCA00] =	vst v63  }
0x10: {  	_ =	swait.ge [sflag:s11], $0xA00  }
0x11: {  	[sflag:s11] =	ssyncset.done $0x0  }
0x12: {  	p0 =	por $0x0, $0x0;
	s15 =	simm.s32 $0x0;
	[sflag:s11] =	ssyncadd.s32 $0xFFFFF600  }
.LBB2_2:
0x13: {  	_ =	swait.ge [sflag:s12], $0x4000  }
0x14: {  	p1 =	slt.u32 s15, $0x2;
	[sflag:s12] =	ssyncset.done $0x0  }
0x15: {  	s0 =	simm.s32 $0x1;
	s1 =	simm.s32 @!p1 $0x3;
	[sflag:s12] =	ssyncadd.s32 $0xFFFFC000  }
0x16: {  	s0 =	simm.s32 @!p0 $0x0;
	_ =	swait.ge @!p1 [sflag:s1], $0x2000  }
0x17: {  	s2 =	sshll.u32 s0, $0xE;
	[sflag:s1] =	ssyncset.done @!p1 $0x0  }
0x18: {  	s28 =	sor.u32 $0xB00, s2;
	[sflag:s1] =	ssyncadd.s32 @!p1 $0xFFFFE000  }
0x19: {  	v0 =	vld [tilespmem:s28+$0x80];
	_ =	sdelay $0x1  }
0x1a: {  	v1 =	vld [tilespmem:s28+$0x0];
	_ =	sdelay $0x2  }
0x1b: {  	v0 =	vmul.f32 $4.900000000e+01, v0;
	_ =	sdelay $0x1  }
0x1c: {  	v1 =	vmul.f32 $4.900000000e+01, v1;
	v0 =	vtrunc.f32 v0  }
0x1d: {  	v0 =	vcvt.f32.s32 v0  }
0x1e: {  	v1 =	vtrunc.f32 v1  }
0x1f: {  	v1 =	vcvt.f32.s32 v1;
	v0 =	vmul.u32 $0x32, v0;
	_ =	sdelay $0x1  }
0x20: {  	v0 =	vadd.s32 v1, v0;
	_ =	sdelay $0x1  }
0x21: {  	v1 =	vld [tilespmem:s28+$0xFFFFFF80];
	_ =	sdelay $0x1  }
0x22: {  	v2 =	vld [tilespmem:s28+$0xFFFFFF00]  }
0x23: {  	v0 =	vld.idx.msk [tilespmem:v0+s3+$0x0], $0xffff;
	_ =	sdelay $0x1  }
0x24: {  	v1 =	vmul.f32 $4.900000000e+01, v1  }
0x25: {  	s0 =	sshll.u32 s0, $0xD  }
0x26: {  	s16 =	sor.u32 $0x8A80, s0;
	v2 =	vmul.f32 $4.900000000e+01, v2;
	v1 =	vtrunc.f32 v1  }
0x27: {  	v1 =	vcvt.f32.s32 v1;
	[tilespmem:s16+$0x0] =	vst v0  }
0x28: {  	v0 =	vtrunc.f32 v2;
	v2 =	vld [tilespmem:s28+$0x90]  }
0x29: {  	v1 =	vmul.u32 $0x32, v1;
	v0 =	vcvt.f32.s32 v0  }
0x2a: {  	v3 =	vld [tilespmem:s28+$0x10]  }
0x2b: {  	v0 =	vadd.s32 v0, v1;
	_ =	sdelay $0x1  }
0x2c: {  	v1 =	vmul.f32 $4.900000000e+01, v2;
	_ =	sdelay $0x1  }
0x2d: {  	v2 =	vmul.f32 $4.900000000e+01, v3;
	v1 =	vtrunc.f32 v1  }
0x2e: {  	v0 =	vld.idx.msk [tilespmem:v0+s3+$0x0], $0xffff;
	v1 =	vcvt.f32.s32 v1  }
0x2f: {  	v2 =	vtrunc.f32 v2  }
0x30: {  	v2 =	vcvt.f32.s32 v2;
	v1 =	vmul.u32 $0x32, v1;
	_ =	sdelay $0x1  }
0x31: {  	v1 =	vadd.s32 v2, v1  }
0x32: {  	[tilespmem:s16+$0xFFFFFF80] =	vst v0  }
0x33: {  	v0 =	vld [tilespmem:s28+$0xFFFFFF90];
	_ =	sdelay $0x1  }
0x34: {  	v2 =	vld [tilespmem:s28+$0xFFFFFF10]  }
0x35: {  	v1 =	vld.idx.msk [tilespmem:v1+s3+$0x0], $0xffff  }
0x36: {  	s26 =	sadd.s32 $0x200, s28  }
0x37: {  	v3 =	vld [tilespmem:s26+$0x80];
	v0 =	vmul.f32 $4.900000000e+01, v0;
	_ =	sdelay $0x1  }
0x38: {  	v4 =	vld [tilespmem:s26+$0x0];
	v2 =	vmul.f32 $4.900000000e+01, v2;
	v0 =	vtrunc.f32 v0  }
0x39: {  	v0 =	vcvt.f32.s32 v0;
	[tilespmem:s16+$0x10] =	vst v1  }
0x3a: {  	v1 =	vtrunc.f32 v2;
	v2 =	vld [tilespmem:s28+$0xA0]  }
0x3b: {  	v3 =	vmul.f32 $4.900000000e+01, v3;
	v1 =	vcvt.f32.s32 v1;
	v0 =	vmul.u32 $0x32, v0  }
0x3c: {  	v5 =	vld [tilespmem:s28+$0x20]  }
0x3d: {  	v3 =	vtrunc.f32 v3;
	v0 =	vadd.s32 v1, v0;
	v1 =	vmul.f32 $4.900000000e+01, v4  }
0x3e: {  	v3 =	vcvt.f32.s32 v3  }
0x3f: {  	v1 =	vtrunc.f32 v1;
	v2 =	vmul.f32 $4.900000000e+01, v2  }
0x40: {  	v3 =	vmul.u32 $0x32, v3;
	v1 =	vcvt.f32.s32 v1  }
0x41: {  	v4 =	vld [tilespmem:s26+$0xFFFFFF80];
	v5 =	vmul.f32 $4.900000000e+01, v5;
	v2 =	vtrunc.f32 v2  }
0x42: {  	v0 =	vld.idx.msk [tilespmem:v0+s3+$0x0], $0xffff;
	v1 =	vadd.s32 v1, v3;
	v2 =	vcvt.f32.s32 v2  }
0x43: {  	v3 =	vld [tilespmem:s26+$0xFFFFFF00];
	v5 =	vtrunc.f32 v5  }
0x44: {  	v5 =	vcvt.f32.s32 v5;
	v2 =	vmul.u32 $0x32, v2;
	_ =	sdelay $0x1  }
0x45: {  	v4 =	vmul.f32 $4.900000000e+01, v4;
	v2 =	vadd.s32 v5, v2  }
0x46: {  	[tilespmem:s16+$0xFFFFFF90] =	vst v0;
	v0 =	vld.idx.msk [tilespmem:v1+s3+$0x0], $0xffff  }
0x47: {  	v1 =	vtrunc.f32 v4;
	v3 =	vmul.f32 $4.900000000e+01, v3;
	v4 =	vld [tilespmem:s28+$0xFFFFFFA0]  }
0x48: {  	v1 =	vcvt.f32.s32 v1  }
0x49: {  	v5 =	vld [tilespmem:s28+$0xFFFFFF20];
	v3 =	vtrunc.f32 v3  }
0x4a: {  	s17 =	sadd.s32 $0x100, s16;
	v3 =	vcvt.f32.s32 v3;
	v1 =	vmul.u32 $0x32, v1;
	v2 =	vld.idx.msk [tilespmem:v2+s3+$0x0], $0xffff  }
0x4b: {  	[tilespmem:s17+$0x0] =	vst v0  }
0x4c: {  	v1 =	vadd.s32 v3, v1;
	v0 =	vmul.f32 $4.900000000e+01, v4;
	v3 =	vld [tilespmem:s26+$0x90];
	_ =	sdelay $0x1  }
0x4d: {  	v4 =	vmul.f32 $4.900000000e+01, v5;
	v5 =	vld [tilespmem:s26+$0x10];
	v0 =	vtrunc.f32 v0  }
0x4e: {  	v0 =	vcvt.f32.s32 v0;
	[tilespmem:s16+$0x20] =	vst v2  }
0x4f: {  	v2 =	vtrunc.f32 v4;
	v4 =	vld [tilespmem:s28+$0xB0]  }
0x50: {  	v1 =	vld.idx.msk [tilespmem:v1+s3+$0x0], $0xffff;
	v2 =	vcvt.f32.s32 v2;
	v0 =	vmul.u32 $0x32, v0;
	v3 =	vmul.f32 $4.900000000e+01, v3  }
0x51: {  	v6 =	vld [tilespmem:s28+$0x30]  }
0x52: {  	v0 =	vadd.s32 v2, v0;
	v2 =	vmul.f32 $4.900000000e+01, v5;
	v3 =	vtrunc.f32 v3  }
0x53: {  	v3 =	vcvt.f32.s32 v3  }
0x54: {  	v2 =	vtrunc.f32 v2;
	v4 =	vmul.f32 $4.900000000e+01, v4  }
0x55: {  	[tilespmem:s17+$0xFFFFFF80] =	vst v1;
	v2 =	vcvt.f32.s32 v2;
	v1 =	vmul.u32 $0x32, v3  }
0x56: {  	v3 =	vmul.f32 $4.900000000e+01, v6;
	v5 =	vld [tilespmem:s26+$0xFFFFFF90];
	v4 =	vtrunc.f32 v4  }
0x57: {  	v0 =	vld.idx.msk [tilespmem:v0+s3+$0x0], $0xffff;
	v1 =	vadd.s32 v2, v1;
	v4 =	vcvt.f32.s32 v4  }
0x58: {  	v2 =	vtrunc.f32 v3;
	v3 =	vld [tilespmem:s26+$0xFFFFFF10]  }
0x59: {  	v2 =	vcvt.f32.s32 v2;
	v4 =	vmul.u32 $0x32, v4;
	_ =	sdelay $0x1  }
0x5a: {  	v2 =	vadd.s32 v2, v4;
	v4 =	vmul.f32 $4.900000000e+01, v5  }
0x5b: {  	s19 =	sadd.s32 $0x200, s26;
	[tilespmem:s16+$0xFFFFFFA0] =	vst v0;
	v0 =	vld.idx.msk [tilespmem:v1+s3+$0x0], $0xffff  }
0x5c: {  	v9 =	vld [tilespmem:s19+$0xFFFFFF80];
	v3 =	vmul.f32 $4.900000000e+01, v3;
	v4 =	vtrunc.f32 v4  }
0x5d: {  	v6 =	vld [tilespmem:s19+$0x80];
	v4 =	vcvt.f32.s32 v4  }
0x5e: {  	v5 =	vld [tilespmem:s19+$0x0];
	v3 =	vtrunc.f32 v3  }
0x5f: {  	v3 =	vcvt.f32.s32 v3;
	v2 =	vld.idx.msk [tilespmem:v2+s3+$0x0], $0xffff;
	v4 =	vmul.u32 $0x32, v4  }
0x60: {  	v7 =	vld [tilespmem:s28+$0xFFFFFFB0];
	[tilespmem:s17+$0x10] =	vst v0  }
0x61: {  	v0 =	vadd.s32 v3, v4;
	v3 =	vld [tilespmem:s26+$0x20]  }
0x62: {  	v4 =	vld [tilespmem:s26+$0xA0]  }
0x63: {  	v6 =	vmul.f32 $4.900000000e+01, v6;
	v1 =	vld [tilespmem:s28+$0xFFFFFF30]  }
0x64: {  	v9 =	vmul.f32 $4.900000000e+01, v9;
	[tilespmem:s16+$0x30] =	vst v2;
	v2 =	vmul.f32 $4.900000000e+01, v5  }
0x65: {  	v6 =	vtrunc.f32 v6;
	v5 =	vmul.f32 $4.900000000e+01, v7;
	v7 =	vld [tilespmem:s28+$0xC0]  }
0x66: {  	v6 =	vcvt.f32.s32 v6;
	v8 =	vld [tilespmem:s28+$0x40];
	v2 =	vtrunc.f32 v2  }
0x67: {  	v0 =	vld.idx.msk [tilespmem:v0+s3+$0x0], $0xffff;
	v3 =	vmul.f32 $4.900000000e+01, v3;
	v4 =	vmul.f32 $4.900000000e+01, v4  }
0x68: {  	v6 =	vmul.u32 $0x32, v6;
	v1 =	vmul.f32 $4.900000000e+01, v1;
	v2 =	vcvt.f32.s32 v2  }
0x69: {  	v3 =	vtrunc.f32 v3;
	v4 =	vtrunc.f32 v4  }
0x6a: {  	v2 =	vadd.s32 v2, v6;
	v4 =	vcvt.f32.s32 v4;
	v6 =	vmul.f32 $4.900000000e+01, v7  }
0x6b: {  	v1 =	vtrunc.f32 v1;
	v3 =	vcvt.f32.s32 v3;
	v7 =	vld [tilespmem:s19+$0xFFFFFF00]  }
0x6c: {  	[tilespmem:s17+$0xFFFFFF90] =	vst v0;
	v4 =	vmul.u32 $0x32, v4;
	v0 =	vtrunc.f32 v6;
	v6 =	vmul.f32 $4.900000000e+01, v8  }
0x6d: {  	v1 =	vcvt.f32.s32 v1;
	v8 =	vld [tilespmem:s26+$0xFFFFFFA0];
	v0 =	vcvt.f32.s32 v0  }
0x6e: {  	v5 =	vtrunc.f32 v5;
	v10 =	vld [tilespmem:s26+$0xFFFFFF20];
	v3 =	vadd.s32 v3, v4;
	v4 =	vtrunc.f32 v6  }
0x6f: {  	v5 =	vcvt.f32.s32 v5;
	v2 =	vld.idx.msk [tilespmem:v2+s3+$0x0], $0xffff;
	v4 =	vcvt.f32.s32 v4;
	v0 =	vmul.u32 $0x32, v0  }
0x70: {  	v6 =	vtrunc.f32 v9;
	v7 =	vmul.f32 $4.900000000e+01, v7  }
0x71: {  	v5 =	vmul.u32 $0x32, v5;
	v6 =	vcvt.f32.s32 v6;
	v0 =	vadd.s32 v4, v0  }
0x72: {  	v4 =	vmul.f32 $4.900000000e+01, v8;
	v7 =	vtrunc.f32 v7  }
0x73: {  	s18 =	sadd.s32 $0x100, s17;
	v1 =	vadd.s32 v1, v5;
	v6 =	vmul.u32 $0x32, v6;
	v5 =	vcvt.f32.s32 v7;
	v3 =	vld.idx.msk [tilespmem:v3+s3+$0x0], $0xffff  }
0x74: {  	v7 =	vmul.f32 $4.900000000e+01, v10;
	v4 =	vtrunc.f32 v4;
	[tilespmem:s18+$0x0] =	vst v2  }
0x75: {  	v2 =	vcvt.f32.s32 v4;
	v4 =	vadd.s32 v5, v6;
	v5 =	vld [tilespmem:s19+$0x90]  }
0x76: {  	v6 =	vtrunc.f32 v7;
	v0 =	vld.idx.msk [tilespmem:v0+s3+$0x0], $0xffff  }
0x77: {  	v7 =	vld [tilespmem:s19+$0x10];
	v6 =	vcvt.f32.s32 v6;
	v2 =	vmul.u32 $0x32, v2  }
0x78: {  	v1 =	vld.idx.msk [tilespmem:v1+s3+$0x0], $0xffff;
	[tilespmem:s17+$0x20] =	vst v3  }
0x79: {  	v2 =	vadd.s32 v6, v2;
	v3 =	vld [tilespmem:s26+$0xB0]  }
0x7a: {  	v4 =	vld.idx.msk [tilespmem:v4+s3+$0x0], $0xffff;
	v5 =	vmul.f32 $4.900000000e+01, v5  }
0x7b: {  	v6 =	vld [tilespmem:s26+$0x30];
	[tilespmem:s16+$0x40] =	vst v0  }
0x7c: {  	v0 =	vmul.f32 $4.900000000e+01, v7;
	v5 =	vtrunc.f32 v5;
	v7 =	vld [tilespmem:s28+$0x50]  }
0x7d: {  	v8 =	vld [tilespmem:s28+$0xD0];
	v5 =	vcvt.f32.s32 v5  }
0x7e: {  	v0 =	vtrunc.f32 v0;
	v3 =	vmul.f32 $4.900000000e+01, v3;
	v2 =	vld.idx.msk [tilespmem:v2+s3+$0x0], $0xffff  }
0x7f: {  	v0 =	vcvt.f32.s32 v0;
	[tilespmem:s18+$0xFFFFFF80] =	vst v4;
	v4 =	vmul.u32 $0x32, v5  }
0x80: {  	v5 =	vmul.f32 $4.900000000e+01, v6;
	v3 =	vtrunc.f32 v3;
	v6 =	vld [tilespmem:s19+$0xFFFFFF90]  }
0x81: {  	[tilespmem:s16+$0xFFFFFFB0] =	vst v1;
	v1 =	vcvt.f32.s32 v3;
	v3 =	vld [tilespmem:s19+$0xFFFFFF10];
	v0 =	vadd.s32 v0, v4  }
0x82: {  	v9 =	vld [tilespmem:s28+$0xFFFFFF40];
	v5 =	vtrunc.f32 v5;
	v8 =	vmul.f32 $4.900000000e+01, v8  }
0x83: {  	v4 =	vld [tilespmem:s28+$0xFFFFFFC0];
	v5 =	vcvt.f32.s32 v5;
	v7 =	vmul.f32 $4.900000000e+01, v7;
	[tilespmem:s17+$0xFFFFFFA0] =	vst v2;
	v1 =	vmul.u32 $0x32, v1  }
0x84: {  	v2 =	vtrunc.f32 v8;
	v8 =	vld [tilespmem:s26+$0xFFFFFFB0]  }
0x85: {  	v7 =	vtrunc.f32 v7;
	v10 =	vld [tilespmem:s26+$0xFFFFFF30];
	v2 =	vcvt.f32.s32 v2;
	v1 =	vadd.s32 v5, v1  }
0x86: {  	v5 =	vmul.f32 $4.900000000e+01, v6;
	v3 =	vmul.f32 $4.900000000e+01, v3;
	v0 =	vld.idx.msk [tilespmem:v0+s3+$0x0], $0xffff  }
0x87: {  	s20 =	sadd.s32 $0x200, s19;
	v9 =	vmul.f32 $4.900000000e+01, v9;
	v6 =	vcvt.f32.s32 v7;
	v2 =	vmul.u32 $0x32, v2  }
0x88: {  	v7 =	vld [tilespmem:s20+$0x0];
	v5 =	vtrunc.f32 v5;
	v3 =	vtrunc.f32 v3  }
0x89: {  	v5 =	vcvt.f32.s32 v5;
	v2 =	vadd.s32 v6, v2;
	v6 =	vld [tilespmem:s20+$0x80];
	v8 =	vmul.f32 $4.900000000e+01, v8  }
0x8a: {  	v4 =	vmul.f32 $4.900000000e+01, v4;
	v3 =	vcvt.f32.s32 v3;
	v1 =	vld.idx.msk [tilespmem:v1+s3+$0x0], $0xffff  }
0x8b: {  	v10 =	vmul.f32 $4.900000000e+01, v10;
	v5 =	vmul.u32 $0x32, v5;
	v8 =	vtrunc.f32 v8;
	[tilespmem:s18+$0x10] =	vst v0  }
0x8c: {  	v0 =	vtrunc.f32 v4;
	v4 =	vcvt.f32.s32 v8;
	v8 =	vld [tilespmem:s19+$0x20]  }
0x8d: {  	v9 =	vtrunc.f32 v9;
	v10 =	vtrunc.f32 v10;
	v3 =	vadd.s32 v3, v5;
	v5 =	vld [tilespmem:s19+$0xA0]  }
0x8e: {  	s22 =	sadd.s32 $0x200, s20;
	v10 =	vcvt.f32.s32 v10;
	v2 =	vld.idx.msk [tilespmem:v2+s3+$0x0], $0xffff;
	v6 =	vmul.f32 $4.900000000e+01, v6;
	v4 =	vmul.u32 $0x32, v4  }
0x8f: {  	v13 =	vld [tilespmem:s22+$0x80];
	v0 =	vcvt.f32.s32 v0;
	[tilespmem:s17+$0x30] =	vst v1;
	v1 =	vmul.f32 $4.900000000e+01, v7  }
0x90: {  	v7 =	vcvt.f32.s32 v9;
	v6 =	vtrunc.f32 v6;
	v4 =	vadd.s32 v10, v4;
	v9 =	vld [tilespmem:s26+$0xC0]  }
0x91: {  	v0 =	vmul.u32 $0x32, v0;
	v10 =	vld [tilespmem:s20+$0xFFFFFF80];
	v6 =	vcvt.f32.s32 v6;
	v1 =	vtrunc.f32 v1  }
0x92: {  	v11 =	vld [tilespmem:s26+$0x40];
	v8 =	vmul.f32 $4.900000000e+01, v8;
	v5 =	vmul.f32 $4.900000000e+01, v5  }
0x93: {  	v0 =	vadd.s32 v7, v0;
	v3 =	vld.idx.msk [tilespmem:v3+s3+$0x0], $0xffff;
	v1 =	vcvt.f32.s32 v1;
	[tilespmem:s16+$0x50] =	vst v2  }
0x94: {  	v6 =	vmul.u32 $0x32, v6;
	v7 =	vtrunc.f32 v8;
	v5 =	vtrunc.f32 v5;
	v2 =	vld [tilespmem:s28+$0xE0]  }
0x95: {  	v5 =	vcvt.f32.s32 v5;
	v4 =	vld.idx.msk [tilespmem:v4+s3+$0x0], $0xffff;
	v8 =	vmul.f32 $4.900000000e+01, v9  }
0x96: {  	v9 =	vld [tilespmem:s28+$0x60];
	v1 =	vadd.s32 v1, v6;
	v6 =	vcvt.f32.s32 v7  }
0x97: {  	v7 =	vld [tilespmem:s20+$0xFFFFFF00];
	v11 =	vmul.f32 $4.900000000e+01, v11;
	v5 =	vmul.u32 $0x32, v5;
	v8 =	vtrunc.f32 v8  }
0x98: {  	v10 =	vmul.f32 $4.900000000e+01, v10;
	v0 =	vld.idx.msk [tilespmem:v0+s3+$0x0], $0xffff;
	[tilespmem:s18+$0xFFFFFF90] =	vst v3;
	v3 =	vcvt.f32.s32 v8  }
0x99: {  	v8 =	vld [tilespmem:s19+$0xFFFFFFA0];
	v5 =	vadd.s32 v6, v5;
	v6 =	vtrunc.f32 v11;
	v2 =	vmul.f32 $4.900000000e+01, v2  }
0x9a: {  	v10 =	vtrunc.f32 v10;
	v11 =	vld [tilespmem:s19+$0xFFFFFF20];
	[tilespmem:s17+$0xFFFFFFB0] =	vst v4;
	v4 =	vcvt.f32.s32 v6  }
0x9b: {  	v3 =	vmul.u32 $0x32, v3;
	v6 =	vmul.f32 $4.900000000e+01, v9;
	v1 =	vld.idx.msk [tilespmem:v1+s3+$0x0], $0xffff;
	v2 =	vtrunc.f32 v2  }
0x9c: {  	v7 =	vmul.f32 $4.900000000e+01, v7;
	v9 =	vld [tilespmem:s26+$0xFFFFFFC0];
	v2 =	vcvt.f32.s32 v2  }
0x9d: {  	v3 =	vadd.s32 v4, v3;
	v4 =	vtrunc.f32 v6;
	v6 =	vcvt.f32.s32 v10;
	v10 =	vld [tilespmem:s26+$0xFFFFFF40]  }
0x9e: {  	[tilespmem:s16+$0xFFFFFFC0] =	vst v0;
	v7 =	vtrunc.f32 v7;
	v0 =	vmul.f32 $4.900000000e+01, v8;
	v5 =	vld.idx.msk [tilespmem:v5+s3+$0x0], $0xffff  }
0x9f: {  	s21 =	sadd.s32 $0x100, s18;
	v12 =	vld [tilespmem:s28+$0xFFFFFF50];
	v4 =	vcvt.f32.s32 v4;
	v7 =	vcvt.f32.s32 v7;
	v6 =	vmul.u32 $0x32, v6  }
0xa0: {  	v8 =	vld [tilespmem:s28+$0xFFFFFFD0];
	v11 =	vmul.f32 $4.900000000e+01, v11;
	v2 =	vmul.u32 $0x32, v2;
	v0 =	vtrunc.f32 v0;
	[tilespmem:s21+$0x0] =	vst v1  }
0xa1: {  	v9 =	vmul.f32 $4.900000000e+01, v9;
	v0 =	vcvt.f32.s32 v0;
	v1 =	vadd.s32 v7, v6;
	v6 =	vld [tilespmem:s20+$0x10]  }
0xa2: {  	v2 =	vadd.s32 v4, v2;
	v4 =	vtrunc.f32 v11;
	v3 =	vld.idx.msk [tilespmem:v3+s3+$0x0], $0xffff;
	v7 =	vmul.f32 $4.900000000e+01, v10  }
0xa3: {  	v10 =	vld [tilespmem:s20+$0x90];
	v4 =	vcvt.f32.s32 v4;
	v9 =	vtrunc.f32 v9;
	[tilespmem:s18+$0x20] =	vst v5  }
0xa4: {  	v0 =	vmul.u32 $0x32, v0;
	v9 =	vcvt.f32.s32 v9;
	v5 =	vtrunc.f32 v7;
	v7 =	vld [tilespmem:s19+$0x30]  }
0xa5: {  	v8 =	vmul.f32 $4.900000000e+01, v8;
	v11 =	vld [tilespmem:s19+$0xB0]  }
0xa6: {  	v5 =	vcvt.f32.s32 v5;
	v0 =	vadd.s32 v4, v0;
	v9 =	vmul.u32 $0x32, v9;
	v1 =	vld.idx.msk [tilespmem:v1+s3+$0x0], $0xffff  }
0xa7: {  	v2 =	vld.idx.msk [tilespmem:v2+s3+$0x0], $0xffff;
	[tilespmem:s17+$0x40] =	vst v3;
	v3 =	vmul.f32 $4.900000000e+01, v6  }
0xa8: {  	v6 =	vtrunc.f32 v8;
	v8 =	vmul.f32 $4.900000000e+01, v10;
	v4 =	vadd.s32 v5, v9;
	v5 =	vld [tilespmem:s26+$0xD0]  }
0xa9: {  	v13 =	vmul.f32 $4.900000000e+01, v13;
	v9 =	vmul.f32 $4.900000000e+01, v12  }
0xaa: {  	v10 =	vld [tilespmem:s26+$0x50];
	v8 =	vtrunc.f32 v8;
	v11 =	vmul.f32 $4.900000000e+01, v11  }
0xab: {  	v3 =	vtrunc.f32 v3;
	v8 =	vcvt.f32.s32 v8;
	v0 =	vld.idx.msk [tilespmem:v0+s3+$0x0], $0xffff  }
0xac: {  	v7 =	vmul.f32 $4.900000000e+01, v7;
	[tilespmem:s21+$0xFFFFFF80] =	vst v1;
	v1 =	vtrunc.f32 v11  }
0xad: {  	[tilespmem:s16+$0x60] =	vst v2;
	v2 =	vcvt.f32.s32 v3;
	v3 =	vld [tilespmem:s20+$0xFFFFFF90];
	v8 =	vmul.u32 $0x32, v8;
	v5 =	vmul.f32 $4.900000000e+01, v5  }
0xae: {  	v7 =	vtrunc.f32 v7;
	v1 =	vcvt.f32.s32 v1;
	v4 =	vld.idx.msk [tilespmem:v4+s3+$0x0], $0xffff  }
0xaf: {  	v11 =	vld [tilespmem:s28+$0xF0];
	v10 =	vmul.f32 $4.900000000e+01, v10;
	v2 =	vadd.s32 v2, v8;
	v5 =	vtrunc.f32 v5  }
0xb0: {  	v12 =	vld [tilespmem:s20+$0xFFFFFF10];
	v7 =	vcvt.f32.s32 v7;
	[tilespmem:s18+$0xFFFFFFA0] =	vst v0;
	v0 =	vmul.u32 $0x32, v1;
	v5 =	vcvt.f32.s32 v5  }
0xb1: {  	v6 =	vcvt.f32.s32 v6;
	v8 =	vld [tilespmem:s28+$0x70];
	v1 =	vtrunc.f32 v10  }
0xb2: {  	v10 =	vld [tilespmem:s19+$0xFFFFFFB0];
	v1 =	vcvt.f32.s32 v1;
	v0 =	vadd.s32 v7, v0;
	v5 =	vmul.u32 $0x32, v5  }
0xb3: {  	v9 =	vtrunc.f32 v9;
	v3 =	vmul.f32 $4.900000000e+01, v3;
	[tilespmem:s17+$0xFFFFFFC0] =	vst v4;
	v4 =	vld [tilespmem:s19+$0xFFFFFF30]  }
0xb4: {  	v7 =	vcvt.f32.s32 v9;
	v9 =	vmul.f32 $4.900000000e+01, v11;
	v2 =	vld.idx.msk [tilespmem:v2+s3+$0x0], $0xffff;
	v1 =	vadd.s32 v1, v5  }
0xb5: {  	v14 =	vld [tilespmem:s22+$0xFFFFFF80];
	v3 =	vtrunc.f32 v3;
	v5 =	vmul.f32 $4.900000000e+01, v12  }
0xb6: {  	v11 =	vld [tilespmem:s26+$0xFFFFFFD0];
	v8 =	vmul.f32 $4.900000000e+01, v8;
	v3 =	vcvt.f32.s32 v3  }
0xb7: {  	v10 =	vmul.f32 $4.900000000e+01, v10;
	v5 =	vtrunc.f32 v5;
	v0 =	vld.idx.msk [tilespmem:v0+s3+$0x0], $0xffff  }
0xb8: {  	v12 =	vld [tilespmem:s22+$0x0];
	v8 =	vtrunc.f32 v8;
	v3 =	vmul.u32 $0x32, v3;
	v5 =	vcvt.f32.s32 v5  }
0xb9: {  	v4 =	vmul.f32 $4.900000000e+01, v4;
	v10 =	vtrunc.f32 v10;
	[tilespmem:s21+$0x10] =	vst v2;
	v1 =	vld.idx.msk [tilespmem:v1+s3+$0x0], $0xffff  }
0xba: {  	v2 =	vcvt.f32.s32 v8;
	v3 =	vadd.s32 v5, v3;
	v5 =	vcvt.f32.s32 v10;
	v8 =	vld [tilespmem:s20+$0x20]  }
0xbb: {  	v6 =	vmul.u32 $0x32, v6;
	v10 =	vmul.f32 $4.900000000e+01, v11;
	v4 =	vtrunc.f32 v4;
	v11 =	vld [tilespmem:s20+$0xA0]  }
0xbc: {  	v9 =	vtrunc.f32 v9;
	v4 =	vcvt.f32.s32 v4;
	v5 =	vmul.u32 $0x32, v5;
	[tilespmem:s18+$0x30] =	vst v0  }
0xbd: {  	v0 =	vadd.s32 v7, v6;
	v6 =	vtrunc.f32 v10;
	v7 =	vmul.f32 $4.900000000e+01, v12;
	v10 =	vld [tilespmem:s19+$0xC0]  }
0xbe: {  	v12 =	vtrunc.f32 v13;
	v13 =	vld [tilespmem:s19+$0x40];
	v4 =	vadd.s32 v4, v5;
	v5 =	vmul.f32 $4.900000000e+01, v14  }
0xbf: {  	v3 =	vld.idx.msk [tilespmem:v3+s3+$0x0], $0xffff;
	[tilespmem:s17+$0x50] =	vst v1;
	v1 =	vcvt.f32.s32 v12;
	v8 =	vmul.f32 $4.900000000e+01, v8  }
0xc0: {  	v7 =	vtrunc.f32 v7;
	v11 =	vmul.f32 $4.900000000e+01, v11;
	v12 =	vld [tilespmem:s26+$0xE0]  }
0xc1: {  	v7 =	vcvt.f32.s32 v7;
	v14 =	vld [tilespmem:s26+$0x60];
	v1 =	vmul.u32 $0x32, v1;
	v8 =	vtrunc.f32 v8  }
0xc2: {  	v0 =	vld.idx.msk [tilespmem:v0+s3+$0x0], $0xffff;
	v11 =	vtrunc.f32 v11;
	v10 =	vmul.f32 $4.900000000e+01, v10  }
0xc3: {  	v1 =	vadd.s32 v7, v1;
	v7 =	vcvt.f32.s32 v8;
	v8 =	vcvt.f32.s32 v11  }
0xc4: {  	v9 =	vcvt.f32.s32 v9;
	v4 =	vld.idx.msk [tilespmem:v4+s3+$0x0], $0xffff;
	v10 =	vtrunc.f32 v10  }
0xc5: {  	v11 =	vld [tilespmem:s22+$0xFFFFFF00];
	[tilespmem:s21+$0xFFFFFF90] =	vst v3;
	v12 =	vmul.f32 $4.900000000e+01, v12;
	v3 =	vmul.u32 $0x32, v8;
	v8 =	vmul.f32 $4.900000000e+01, v13  }
0xc6: {  	v10 =	vcvt.f32.s32 v10;
	v13 =	vld [tilespmem:s20+$0xFFFFFFA0];
	v14 =	vmul.f32 $4.900000000e+01, v14  }
0xc7: {  	v15 =	vld [tilespmem:s26+$0xFFFFFF50];
	[tilespmem:s16+$0xFFFFFFD0] =	vst v0;
	v0 =	vcvt.f32.s32 v6;
	v12 =	vtrunc.f32 v12  }
0xc8: {  	v16 =	vld [tilespmem:s20+$0xFFFFFF20];
	v3 =	vadd.s32 v7, v3;
	v7 =	vtrunc.f32 v8;
	v8 =	vcvt.f32.s32 v12  }
0xc9: {  	v1 =	vld.idx.msk [tilespmem:v1+s3+$0x0], $0xffff;
	[tilespmem:s18+$0xFFFFFFB0] =	vst v4;
	v4 =	vcvt.f32.s32 v7;
	v7 =	vmul.u32 $0x32, v10;
	v10 =	vtrunc.f32 v14  }
0xca: {  	v11 =	vmul.f32 $4.900000000e+01, v11;
	v6 =	vld [tilespmem:s19+$0xFFFFFFC0];
	v10 =	vcvt.f32.s32 v10;
	v8 =	vmul.u32 $0x32, v8  }
0xcb: {  	v5 =	vtrunc.f32 v5;
	v4 =	vadd.s32 v4, v7;
	v7 =	vmul.f32 $4.900000000e+01, v13;
	v13 =	vld [tilespmem:s19+$0xFFFFFF40]  }
0xcc: {  	v5 =	vcvt.f32.s32 v5;
	v12 =	vld [tilespmem:s28+$0xFFFFFFE0];
	v8 =	vadd.s32 v10, v8;
	v10 =	vtrunc.f32 v11  }
0xcd: {  	v11 =	vmul.f32 $4.900000000e+01, v16;
	v3 =	vld.idx.msk [tilespmem:v3+s3+$0x0], $0xffff;
	v7 =	vtrunc.f32 v7  }
0xce: {  	s23 =	sadd.s32 $0x100, s21;
	v5 =	vmul.u32 $0x32, v5;
	v10 =	vcvt.f32.s32 v10;
	v7 =	vcvt.f32.s32 v7  }
0xcf: {  	v14 =	vld [tilespmem:s28+$0xFFFFFF60];
	[tilespmem:s23+$0x0] =	vst v1;
	v1 =	vmul.u32 $0x32, v9;
	v9 =	vtrunc.f32 v11;
	v6 =	vmul.f32 $4.900000000e+01, v6  }
0xd0: {  	v11 =	vld [tilespmem:s22+$0x10];
	v5 =	vadd.s32 v10, v5;
	v9 =	vcvt.f32.s32 v9;
	v10 =	vmul.f32 $4.900000000e+01, v13  }
0xd1: {  	v4 =	vld.idx.msk [tilespmem:v4+s3+$0x0], $0xffff;
	v1 =	vadd.s32 v2, v1;
	v2 =	vmul.f32 $4.900000000e+01, v15;
	v6 =	vtrunc.f32 v6  }
0xd2: {  	v13 =	vld [tilespmem:s22+$0x90];
	v6 =	vcvt.f32.s32 v6;
	[tilespmem:s21+$0x20] =	vst v3;
	v3 =	vmul.u32 $0x32, v7;
	v7 =	vmul.f32 $4.900000000e+01, v12  }
0xd3: {  	v8 =	vld.idx.msk [tilespmem:v8+s3+$0x0], $0xffff;
	v10 =	vtrunc.f32 v10;
	v2 =	vtrunc.f32 v2  }
0xd4: {  	v0 =	vmul.u32 $0x32, v0;
	v10 =	vcvt.f32.s32 v10;
	v15 =	vld [tilespmem:s20+$0xB0];
	v2 =	vcvt.f32.s32 v2  }
0xd5: {  	v12 =	vld [tilespmem:s20+$0x30];
	v6 =	vmul.u32 $0x32, v6;
	v3 =	vadd.s32 v9, v3;
	v7 =	vtrunc.f32 v7  }
0xd6: {  	v9 =	vmul.f32 $4.900000000e+01, v11;
	v5 =	vld.idx.msk [tilespmem:v5+s3+$0x0], $0xffff;
	[tilespmem:s18+$0x40] =	vst v4;
	v4 =	vmul.f32 $4.900000000e+01, v14  }
0xd7: {  	v7 =	vcvt.f32.s32 v7;
	v0 =	vadd.s32 v2, v0;
	v6 =	vadd.s32 v10, v6;
	v10 =	vld [tilespmem:s19+$0xD0]  }
0xd8: {  	v11 =	vmul.f32 $4.900000000e+01, v13;
	v13 =	vld [tilespmem:s19+$0x50];
	[tilespmem:s17+$0x60] =	vst v8;
	v4 =	vtrunc.f32 v4  }
0xd9: {  	v8 =	vtrunc.f32 v9;
	v9 =	vld [tilespmem:s26+$0xF0];
	v14 =	vmul.f32 $4.900000000e+01, v15  }
0xda: {  	v7 =	vmul.u32 $0x32, v7;
	v4 =	vcvt.f32.s32 v4;
	v3 =	vld.idx.msk [tilespmem:v3+s3+$0x0], $0xffff  }
0xdb: {  	v11 =	vtrunc.f32 v11;
	[tilespmem:s23+$0xFFFFFF80] =	vst v5;
	v5 =	vtrunc.f32 v14;
	v14 =	vld [tilespmem:s26+$0x70]  }
0xdc: {  	v11 =	vcvt.f32.s32 v11;
	v0 =	vld.idx.msk [tilespmem:v0+s3+$0x0], $0xffff;
	v4 =	vadd.s32 v4, v7  }
0xdd: {  	v6 =	vld.idx.msk [tilespmem:v6+s3+$0x0], $0xffff  }
0xde: {  	v2 =	vmul.f32 $4.900000000e+01, v12;
	v8 =	vcvt.f32.s32 v8;
	v11 =	vmul.u32 $0x32, v11;
	v12 =	vld [tilespmem:s22+$0xFFFFFF90]  }
0xdf: {  	v5 =	vcvt.f32.s32 v5;
	v15 =	vld [tilespmem:s22+$0xFFFFFF10];
	[tilespmem:s21+$0xFFFFFFA0] =	vst v3  }
0xe0: {  	v2 =	vtrunc.f32 v2;
	v10 =	vmul.f32 $4.900000000e+01, v10;
	v8 =	vadd.s32 v8, v11;
	v11 =	vld [tilespmem:s20+$0xFFFFFFB0]  }
0xe1: {  	v13 =	vmul.f32 $4.900000000e+01, v13;
	v2 =	vcvt.f32.s32 v2;
	v3 =	vmul.u32 $0x32, v5;
	v4 =	vld.idx.msk [tilespmem:v4+s3+$0x0], $0xffff  }
0xe2: {  	s24 =	sadd.s32 $0x200, s22;
	v10 =	vtrunc.f32 v10;
	v9 =	vmul.f32 $4.900000000e+01, v9;
	[tilespmem:s18+$0xFFFFFFC0] =	vst v6;
	v6 =	vld [tilespmem:s20+$0xFFFFFF30]  }
0xe3: {  	v2 =	vadd.s32 v2, v3;
	v3 =	vmul.f32 $4.900000000e+01, v12;
	v12 =	vmul.f32 $4.900000000e+01, v14;
	v14 =	vld [tilespmem:s24+$0x0]  }
0xe4: {  	v10 =	vcvt.f32.s32 v10;
	v5 =	vtrunc.f32 v13;
	v13 =	vld [tilespmem:s19+$0xFFFFFFD0]  }
0xe5: {  	v8 =	vld.idx.msk [tilespmem:v8+s3+$0x0], $0xffff  }
0xe6: {  	v5 =	vcvt.f32.s32 v5;
	v9 =	vtrunc.f32 v9;
	v10 =	vmul.u32 $0x32, v10;
	v17 =	vld [tilespmem:s19+$0xFFFFFF50]  }
0xe7: {  	v9 =	vcvt.f32.s32 v9;
	v7 =	vtrunc.f32 v12;
	v12 =	vld [tilespmem:s24+$0x80]  }
0xe8: {  	v5 =	vadd.s32 v5, v10;
	v10 =	vmul.f32 $4.900000000e+01, v15;
	v3 =	vtrunc.f32 v3;
	v15 =	vld [tilespmem:s24+$0xFFFFFF80]  }
0xe9: {  	v3 =	vcvt.f32.s32 v3;
	v7 =	vcvt.f32.s32 v7;
	[tilespmem:s16+$0xFFFFFFE0] =	vst v4;
	v2 =	vld.idx.msk [tilespmem:v2+s3+$0x0], $0xffff  }
0xea: {  	v10 =	vtrunc.f32 v10;
	v11 =	vmul.f32 $4.900000000e+01, v11;
	v39 =	vld [tilespmem:s28+$0xFFFFFFF0]  }
0xeb: {  	v10 =	vcvt.f32.s32 v10;
	v6 =	vmul.f32 $4.900000000e+01, v6;
	v18 =	vld [tilespmem:s28+$0xFFFFFF70];
	s28 =	sadd.s32 $0x200, s24  }
0xec: {  	v3 =	vmul.u32 $0x32, v3;
	v13 =	vmul.f32 $4.900000000e+01, v13;
	v11 =	vtrunc.f32 v11;
	v43 =	vld [tilespmem:s28+$0x80]  }
0xed: {  	v9 =	vmul.u32 $0x32, v9;
	[tilespmem:s23+$0x10] =	vst v8;
	v38 =	vmul.f32 $4.900000000e+01, v17;
	v44 =	vld [tilespmem:s28+$0xFFFFFF80];
	v8 =	vcvt.f32.s32 v11  }
0xee: {  	v5 =	vld.idx.msk [tilespmem:v5+s3+$0x0], $0xffff;
	v3 =	vadd.s32 v10, v3;
	v6 =	vtrunc.f32 v6;
	v12 =	vmul.f32 $4.900000000e+01, v12  }
0xef: {  	v10 =	vld [tilespmem:s22+$0x20];
	v11 =	vtrunc.f32 v13;
	v6 =	vcvt.f32.s32 v6;
	v8 =	vmul.u32 $0x32, v8  }
0xf0: {  	v13 =	vld [tilespmem:s22+$0xA0];
	v11 =	vcvt.f32.s32 v11;
	[tilespmem:s21+$0x30] =	vst v2;
	v2 =	vadd.s32 v7, v9;
	v7 =	vmul.f32 $4.900000000e+01, v14  }
0xf1: {  	v9 =	vtrunc.f32 v12;
	v12 =	vld [tilespmem:s20+$0xC0];
	v6 =	vadd.s32 v6, v8;
	v8 =	vmul.f32 $4.900000000e+01, v15  }
0xf2: {  	v9 =	vcvt.f32.s32 v9;
	v14 =	vld [tilespmem:s20+$0x40];
	v16 =	vmul.f32 $4.900000000e+01, v43  }
0xf3: {  	v45 =	vmul.f32 $4.900000000e+01, v44;
	v3 =	vld.idx.msk [tilespmem:v3+s3+$0x0], $0xffff;
	[tilespmem:s18+$0x50] =	vst v5;
	v5 =	vtrunc.f32 v7  }
0xf4: {  	v7 =	vmul.f32 $4.900000000e+01, v10;
	v10 =	vld [tilespmem:s19+$0xE0];
	v5 =	vcvt.f32.s32 v5  }
0xf5: {  	v13 =	vmul.f32 $4.900000000e+01, v13;
	v8 =	vtrunc.f32 v8;
	v15 =	vld [tilespmem:s19+$0x60]  }
0xf6: {  	[tilespmem:s17+$0xFFFFFFD0] =	vst v0;
	v9 =	vmul.u32 $0x32, v9;
	v7 =	vtrunc.f32 v7;
	v0 =	vcvt.f32.s32 v8  }
0xf7: {  	v13 =	vtrunc.f32 v13;
	v7 =	vcvt.f32.s32 v7  }
0xf8: {  	v5 =	vadd.s32 v5, v9;
	v12 =	vmul.f32 $4.900000000e+01, v12;
	v6 =	vld.idx.msk [tilespmem:v6+s3+$0x0], $0xffff;
	v9 =	vcvt.f32.s32 v13  }
0xf9: {  	v13 =	vld [tilespmem:s24+$0xFFFFFF00];
	v14 =	vmul.f32 $4.900000000e+01, v14;
	[tilespmem:s23+$0xFFFFFF90] =	vst v3;
	v10 =	vmul.f32 $4.900000000e+01, v10  }
0xfa: {  	v3 =	vtrunc.f32 v12;
	v12 =	vld [tilespmem:s22+$0xFFFFFFA0];
	v9 =	vmul.u32 $0x32, v9;
	v15 =	vmul.f32 $4.900000000e+01, v15  }
0xfb: {  	v37 =	vld [tilespmem:s22+$0xFFFFFF20];
	v3 =	vcvt.f32.s32 v3;
	v10 =	vtrunc.f32 v10  }
0xfc: {  	v7 =	vadd.s32 v7, v9;
	v9 =	vtrunc.f32 v14;
	v10 =	vcvt.f32.s32 v10  }
0xfd: {  	v5 =	vld.idx.msk [tilespmem:v5+s3+$0x0], $0xffff;
	[tilespmem:s21+$0xFFFFFFB0] =	vst v6;
	v6 =	vcvt.f32.s32 v9;
	v3 =	vmul.u32 $0x32, v3;
	v9 =	vtrunc.f32 v15  }
0xfe: {  	v13 =	vmul.f32 $4.900000000e+01, v13;
	v14 =	vld [tilespmem:s20+$0xFFFFFFC0];
	v9 =	vcvt.f32.s32 v9  }
0xff: {  	v10 =	vmul.u32 $0x32, v10;
	v8 =	vmul.f32 $4.900000000e+01, v12;
	v12 =	vld [tilespmem:s20+$0xFFFFFF40];
	v3 =	vadd.s32 v6, v3  }
0x100: {  	v6 =	vld [tilespmem:s26+$0xFFFFFFE0];
	v13 =	vtrunc.f32 v13;
	v15 =	vmul.f32 $4.900000000e+01, v37  }
0x101: {  	s25 =	sadd.s32 $0x100, s23;
	v16 =	vtrunc.f32 v16;
	v9 =	vadd.s32 v9, v10;
	v10 =	vcvt.f32.s32 v13;
	v7 =	vld.idx.msk [tilespmem:v7+s3+$0x0], $0xffff  }
0x102: {  	v8 =	vtrunc.f32 v8;
	v13 =	vld [tilespmem:s26+$0xFFFFFF60];
	[tilespmem:s25+$0x0] =	vst v5;
	v5 =	vtrunc.f32 v15  }
0x103: {  	v0 =	vmul.u32 $0x32, v0;
	v8 =	vcvt.f32.s32 v8;
	v15 =	vld [tilespmem:s24+$0x10];
	v14 =	vmul.f32 $4.900000000e+01, v14  }
0x104: {  	v5 =	vcvt.f32.s32 v5;
	v12 =	vmul.f32 $4.900000000e+01, v12;
	v3 =	vld.idx.msk [tilespmem:v3+s3+$0x0], $0xffff  }
0x105: {  	v0 =	vadd.s32 v10, v0;
	v6 =	vmul.f32 $4.900000000e+01, v6;
	v10 =	vtrunc.f32 v14;
	v14 =	vld [tilespmem:s24+$0x90]  }
0x106: {  	v9 =	vld.idx.msk [tilespmem:v9+s3+$0x0], $0xffff;
	v12 =	vtrunc.f32 v12;
	v10 =	vcvt.f32.s32 v10;
	[tilespmem:s23+$0x20] =	vst v7  }
0x107: {  	v7 =	vtrunc.f32 v38;
	v4 =	vcvt.f32.s32 v12;
	v12 =	vld [tilespmem:s22+$0x30]  }
0x108: {  	v8 =	vmul.u32 $0x32, v8;
	v6 =	vtrunc.f32 v6;
	v13 =	vmul.f32 $4.900000000e+01, v13;
	v40 =	vld [tilespmem:s22+$0xB0]  }
0x109: {  	v7 =	vcvt.f32.s32 v7;
	v15 =	vmul.f32 $4.900000000e+01, v15;
	v10 =	vmul.u32 $0x32, v10  }
0x10a: {  	v5 =	vadd.s32 v5, v8;
	v6 =	vcvt.f32.s32 v6;
	v0 =	vld.idx.msk [tilespmem:v0+s3+$0x0], $0xffff;
	v8 =	vtrunc.f32 v13;
	[tilespmem:s21+$0x40] =	vst v3  }
0x10b: {  	v8 =	vcvt.f32.s32 v8;
	v3 =	vmul.f32 $4.900000000e+01, v14;
	v4 =	vadd.s32 v4, v10;
	v10 =	vld [tilespmem:s20+$0xD0]  }
0x10c: {  	v14 =	vld [tilespmem:s20+$0x50];
	[tilespmem:s18+$0x60] =	vst v9;
	v9 =	vtrunc.f32 v15;
	v12 =	vmul.f32 $4.900000000e+01, v12  }
0x10d: {  	v13 =	vld [tilespmem:s19+$0xF0];
	v3 =	vtrunc.f32 v3;
	v15 =	vmul.f32 $4.900000000e+01, v40  }
0x10e: {  	v11 =	vmul.u32 $0x32, v11;
	v9 =	vcvt.f32.s32 v9;
	v41 =	vld [tilespmem:s19+$0x70];
	v3 =	vcvt.f32.s32 v3  }
0x10f: {  	v5 =	vld.idx.msk [tilespmem:v5+s3+$0x0], $0xffff;
	[tilespmem:s25+$0xFFFFFF80] =	vst v0;
	v12 =	vtrunc.f32 v12;
	v0 =	vtrunc.f32 v15  }
0x110: {  	v7 =	vadd.s32 v7, v11;
	v11 =	vcvt.f32.s32 v12;
	v10 =	vmul.f32 $4.900000000e+01, v10  }
0x111: {  	v12 =	vld [tilespmem:s24+$0xFFFFFF90];
	v0 =	vcvt.f32.s32 v0;
	v3 =	vmul.u32 $0x32, v3;
	v14 =	vmul.f32 $4.900000000e+01, v14  }
0x112: {  	v4 =	vld.idx.msk [tilespmem:v4+s3+$0x0], $0xffff;
	v13 =	vmul.f32 $4.900000000e+01, v13;
	v10 =	vtrunc.f32 v10  }
0x113: {  	v15 =	vld [tilespmem:s24+$0xFFFFFF10];
	v17 =	vmul.f32 $4.900000000e+01, v41;
	v3 =	vadd.s32 v9, v3;
	v0 =	vmul.u32 $0x32, v0  }
0x114: {  	v1 =	vld.idx.msk [tilespmem:v1+s3+$0x0], $0xffff;
	v6 =	vmul.u32 $0x32, v6;
	[tilespmem:s23+$0xFFFFFFA0] =	vst v5;
	v5 =	vtrunc.f32 v14;
	v9 =	vcvt.f32.s32 v10  }
0x115: {  	v7 =	vld.idx.msk [tilespmem:v7+s3+$0x0], $0xffff;
	v5 =	vcvt.f32.s32 v5;
	v10 =	vtrunc.f32 v13;
	v0 =	vadd.s32 v11, v0  }
0x116: {  	v13 =	vld [tilespmem:s22+$0xFFFFFFB0];
	v14 =	vtrunc.f32 v17;
	v9 =	vmul.u32 $0x32, v9;
	v11 =	vmul.f32 $4.900000000e+01, v12  }
0x117: {  	v6 =	vadd.s32 v8, v6;
	v8 =	vmul.f32 $4.900000000e+01, v39;
	[tilespmem:s21+$0xFFFFFFC0] =	vst v4;
	v4 =	vld [tilespmem:s22+$0xFFFFFF30];
	v12 =	vcvt.f32.s32 v14  }
0x118: {  	v14 =	vmul.f32 $4.900000000e+01, v15;
	v5 =	vadd.s32 v5, v9;
	v3 =	vld.idx.msk [tilespmem:v3+s3+$0x0], $0xffff;
	v11 =	vtrunc.f32 v11  }
0x119: {  	v8 =	vtrunc.f32 v8;
	v15 =	vld [tilespmem:s20+$0xFFFFFFD0];
	v11 =	vcvt.f32.s32 v11  }
0x11a: {  	v10 =	vcvt.f32.s32 v10;
	v14 =	vtrunc.f32 v14;
	v0 =	vld.idx.msk [tilespmem:v0+s3+$0x0], $0xffff  }
0x11b: {  	v42 =	vld [tilespmem:s28+$0x0];
	v14 =	vcvt.f32.s32 v14;
	v13 =	vmul.f32 $4.900000000e+01, v13;
	v11 =	vmul.u32 $0x32, v11  }
0x11c: {  	v2 =	vld.idx.msk [tilespmem:v2+s3+$0x0], $0xffff;
	[tilespmem:s18+$0xFFFFFFD0] =	vst v7;
	v7 =	vtrunc.f32 v45;
	v9 =	vmul.f32 $4.900000000e+01, v18;
	v10 =	vmul.u32 $0x32, v10  }
0x11d: {  	v4 =	vmul.f32 $4.900000000e+01, v4;
	v13 =	vtrunc.f32 v13;
	v5 =	vld.idx.msk [tilespmem:v5+s3+$0x0], $0xffff;
	v11 =	vadd.s32 v14, v11;
	[tilespmem:s25+$0x10] =	vst v3  }
0x11e: {  	v15 =	vmul.f32 $4.900000000e+01, v15;
	v13 =	vcvt.f32.s32 v13;
	v14 =	vld [tilespmem:s24+$0x20]  }
0x11f: {  	v10 =	vadd.s32 v12, v10;
	v4 =	vtrunc.f32 v4;
	v3 =	vcvt.f32.s32 v8;
	v8 =	vld [tilespmem:s24+$0xA0];
	[tilespmem:s23+$0x30] =	vst v0  }
0x120: {  	v4 =	vcvt.f32.s32 v4;
	v15 =	vtrunc.f32 v15;
	v13 =	vmul.u32 $0x32, v13;
	v12 =	vld [tilespmem:s22+$0xC0]  }
0x121: {  	v7 =	vcvt.f32.s32 v7;
	v15 =	vcvt.f32.s32 v15;
	v46 =	vld [tilespmem:s22+$0x40]  }
0x122: {  	v0 =	vtrunc.f32 v9;
	v9 =	vmul.f32 $4.900000000e+01, v42;
	v13 =	vadd.s32 v4, v13;
	v11 =	vld.idx.msk [tilespmem:v11+s3+$0x0], $0xffff;
	[tilespmem:s21+$0x50] =	vst v5  }
0x123: {  	v4 =	vcvt.f32.s32 v16;
	v5 =	vmul.f32 $4.900000000e+01, v14;
	v14 =	vld [tilespmem:s20+$0xE0]  }
0x124: {  	v6 =	vld.idx.msk [tilespmem:v6+s3+$0x0], $0xffff;
	v9 =	vtrunc.f32 v9;
	v8 =	vmul.f32 $4.900000000e+01, v8  }
0x125: {  	v9 =	vcvt.f32.s32 v9;
	v47 =	vmul.u32 $0x32, v4;
	v19 =	vld [tilespmem:s20+$0x60];
	v5 =	vtrunc.f32 v5  }
0x126: {  	v4 =	vld.idx.msk [tilespmem:v10+s3+$0x0], $0xffff;
	v8 =	vtrunc.f32 v8;
	v10 =	vmul.f32 $4.900000000e+01, v12  }
0x127: {  	v9 =	vadd.s32 v9, v47;
	v16 =	vmul.f32 $4.900000000e+01, v46;
	v12 =	vld.idx.msk [tilespmem:v13+s3+$0x0], $0xffff;
	v8 =	vcvt.f32.s32 v8  }
0x128: {  	v13 =	vld [tilespmem:s28+$0xFFFFFF00];
	[tilespmem:s25+$0xFFFFFF90] =	vst v11;
	v10 =	vtrunc.f32 v10;
	v11 =	vmul.f32 $4.900000000e+01, v14  }
0x129: {  	v5 =	vcvt.f32.s32 v5;
	v14 =	vld [tilespmem:s24+$0xFFFFFFA0];
	v8 =	vmul.u32 $0x32, v8;
	v10 =	vcvt.f32.s32 v10  }
0x12a: {  	v48 =	vld [tilespmem:s24+$0xFFFFFF20];
	v19 =	vmul.f32 $4.900000000e+01, v19;
	v11 =	vtrunc.f32 v11  }
0x12b: {  	v20 =	vld [tilespmem:s20+$0xFFFFFF50];
	v5 =	vadd.s32 v5, v8;
	v8 =	vtrunc.f32 v16;
	v11 =	vcvt.f32.s32 v11  }
0x12c: {  	v9 =	vld.idx.msk [tilespmem:v9+s3+$0x0], $0xffff;
	v10 =	vmul.u32 $0x32, v10;
	[tilespmem:s23+$0xFFFFFFB0] =	vst v12;
	v8 =	vcvt.f32.s32 v8;
	v12 =	vtrunc.f32 v19  }
0x12d: {  	v13 =	vmul.f32 $4.900000000e+01, v13;
	v49 =	vld [tilespmem:s22+$0xFFFFFFC0];
	v12 =	vcvt.f32.s32 v12  }
0x12e: {  	v50 =	vld [tilespmem:s22+$0xFFFFFF40];
	v11 =	vmul.u32 $0x32, v11;
	v14 =	vmul.f32 $4.900000000e+01, v14;
	v8 =	vadd.s32 v8, v10  }
0x12f: {  	v10 =	vld [tilespmem:s19+$0xFFFFFFE0];
	v13 =	vtrunc.f32 v13;
	v18 =	vmul.f32 $4.900000000e+01, v48  }
0x130: {  	s31 =	sadd.s32 $0x100, s25;
	v13 =	vcvt.f32.s32 v13;
	v11 =	vadd.s32 v12, v11;
	v12 =	vld [tilespmem:s19+$0xFFFFFF60];
	v14 =	vtrunc.f32 v14  }
0x131: {  	v7 =	vmul.u32 $0x32, v7;
	v5 =	vld.idx.msk [tilespmem:v5+s3+$0x0], $0xffff;
	[tilespmem:s31+$0x0] =	vst v9;
	v9 =	vtrunc.f32 v18;
	v14 =	vcvt.f32.s32 v14  }
0x132: {  	v51 =	vld [tilespmem:s28+$0x10];
	v9 =	vcvt.f32.s32 v9;
	v16 =	vmul.f32 $4.900000000e+01, v49  }
0x133: {  	v7 =	vadd.s32 v13, v7;
	v13 =	vmul.f32 $4.900000000e+01, v20;
	v17 =	vmul.f32 $4.900000000e+01, v50;
	v8 =	vld.idx.msk [tilespmem:v8+s3+$0x0], $0xffff  }
0x134: {  	[tilespmem:s17+$0xFFFFFFE0] =	vst v6;
	v6 =	vmul.f32 $4.900000000e+01, v10;
	v10 =	vld [tilespmem:s28+$0x90];
	v16 =	vtrunc.f32 v16  }
0x135: {  	v17 =	vtrunc.f32 v17;
	v11 =	vld.idx.msk [tilespmem:v11+s3+$0x0], $0xffff;
	v16 =	vcvt.f32.s32 v16  }
0x136: {  	v52 =	vld [tilespmem:s26+$0xFFFFFFF0];
	[tilespmem:s25+$0x20] =	vst v5;
	v5 =	vtrunc.f32 v13;
	v13 =	vcvt.f32.s32 v17  }
0x137: {  	v14 =	vmul.u32 $0x32, v14;
	v6 =	vtrunc.f32 v6;
	v12 =	vmul.f32 $4.900000000e+01, v12;
	v53 =	vld [tilespmem:s24+$0x30]  }
0x138: {  	v5 =	vcvt.f32.s32 v5;
	v54 =	vld [tilespmem:s24+$0xB0];
	v18 =	vmul.f32 $4.900000000e+01, v51  }
0x139: {  	v7 =	vld.idx.msk [tilespmem:v7+s3+$0x0], $0xffff;
	v16 =	vmul.u32 $0x32, v16;
	[tilespmem:s23+$0x40] =	vst v8;
	v8 =	vadd.s32 v9, v14;
	v9 =	vmul.f32 $4.900000000e+01, v10  }
0x13a: {  	v6 =	vcvt.f32.s32 v6;
	v10 =	vld [tilespmem:s22+$0x50];
	[tilespmem:s21+$0x60] =	vst v11;
	v11 =	vtrunc.f32 v12  }
0x13b: {  	v12 =	vadd.s32 v13, v16;
	v13 =	vtrunc.f32 v18;
	v9 =	vtrunc.f32 v9;
	v14 =	vld [tilespmem:s20+$0xF0]  }
0x13c: {  	v15 =	vmul.u32 $0x32, v15;
	v56 =	vld [tilespmem:s22+$0xD0];
	v11 =	vcvt.f32.s32 v11;
	v55 =	vmul.f32 $4.900000000e+01, v53  }
0x13d: {  	v6 =	vmul.u32 $0x32, v6;
	v13 =	vcvt.f32.s32 v13;
	v57 =	vmul.f32 $4.900000000e+01, v54;
	v58 =	vld [tilespmem:s20+$0x70]  }
0x13e: {  	v5 =	vadd.s32 v5, v15;
	v15 =	vld [tilespmem:s26+$0xFFFFFF70];
	v9 =	vcvt.f32.s32 v9;
	v16 =	vtrunc.f32 v55  }
0x13f: {  	[tilespmem:s31+$0xFFFFFF80] =	vst v7;
	v6 =	vadd.s32 v11, v6;
	v8 =	vld.idx.msk [tilespmem:v8+s3+$0x0], $0xffff;
	v59 =	vtrunc.f32 v57;
	v11 =	vcvt.f32.s32 v16  }
0x140: {  	v60 =	vld [tilespmem:s28+$0xFFFFFF90];
	v9 =	vmul.u32 $0x32, v9;
	v10 =	vmul.f32 $4.900000000e+01, v10;
	v14 =	vmul.f32 $4.900000000e+01, v14  }
0x141: {  	v17 =	vmul.f32 $4.900000000e+01, v56;
	v7 =	vld.idx.msk [tilespmem:v12+s3+$0x0], $0xffff;
	v12 =	vcvt.f32.s32 v59  }
0x142: {  	v61 =	vadd.s32 v13, v9;
	v13 =	vld [tilespmem:s28+$0xFFFFFF10];
	v9 =	vmul.f32 $4.900000000e+01, v58;
	v14 =	vtrunc.f32 v14  }
0x143: {  	[tilespmem:s16+$0x70] =	vst v1;
	v1 =	vmul.u32 $0x32, v3;
	v5 =	vld.idx.msk [tilespmem:v5+s3+$0x0], $0xffff;
	v17 =	vtrunc.f32 v17;
	v14 =	vcvt.f32.s32 v14  }
0x144: {  	[tilespmem:s25+$0xFFFFFFA0] =	vst v8;
	v3 =	vld.idx.msk [tilespmem:v6+s3+$0x0], $0xffff;
	v6 =	vmul.u32 $0x32, v12;
	v12 =	vcvt.f32.s32 v17;
	v9 =	vtrunc.f32 v9  }
0x145: {  	s2 =	sand.u32 $0x1, s15;
	[tilespmem:s17+$0x70] =	vst v2;
	v2 =	vtrunc.f32 v10;
	v8 =	vld [tilespmem:s24+$0xFFFFFFB0];
	v62 =	vcvt.f32.s32 v9;
	v14 =	vmul.u32 $0x32, v14  }
0x146: {  	s29 =	sshll.u32 s15, $0xA;
	s0 =	sshll.u32 s2, $0xD;
	v9 =	vld [tilespmem:s24+$0xFFFFFF30];
	[tilespmem:s23+$0xFFFFFFC0] =	vst v7;
	v10 =	vadd.s32 v11, v6;
	v7 =	vcvt.f32.s32 v2;
	v63 =	vmul.u32 $0x32, v12  }
0x147: {  	s30 =	sor.u32 $0x8A00, s0;
	s0 =	simm.s32 $0xC;
	[tilespmem:s18+$0x70] =	vst v4;
	s26 =	sshll.u32 s2, $0xE;
	v12 =	vmul.f32 $4.900000000e+01, v13;
	v13 =	vmul.f32 $4.900000000e+01, v60;
	v6 =	vld [tilespmem:s22+$0xFFFFFFD0];
	v2 =	vadd.s32 v62, v14  }
0x148: {  	s1 =	smov.u32 s31;
	s2 =	sadd.s32 $0x200, s28;
	s26 =	sor.u32 $0xA00, s26;
	v4 =	vmul.f32 $4.900000000e+01, v15;
	[tilespmem:s21+$0xFFFFFFD0] =	vst v5;
	v5 =	vmul.f32 $4.900000000e+01, v52;
	v11 =	vld.idx.msk [tilespmem:v61+s3+$0x0], $0xffff;
	v7 =	vadd.s32 v7, v63  }
.LBB2_3:
0x149: {  	v14 =	vld [tilespmem:s2+$0x0];
	v12 =	vtrunc.f32 v12;
	v13 =	vtrunc.f32 v13;
	[tilespmem:s18+$0xFFFFFFE0] =	vst v3  }
0x14a: {  	v3 =	vld [tilespmem:s2+$0x80];
	v12 =	vcvt.f32.s32 v12;
	v13 =	vcvt.f32.s32 v13  }
0x14b: {  	v8 =	vmul.f32 $4.900000000e+01, v8;
	v9 =	vmul.f32 $4.900000000e+01, v9;
	v10 =	vld.idx.msk [tilespmem:v10+s3+$0x0], $0xffff  }
0x14c: {  	v5 =	vtrunc.f32 v5;
	v13 =	vmul.u32 $0x32, v13;
	v6 =	vmul.f32 $4.900000000e+01, v6;
	v2 =	vld.idx.msk [tilespmem:v2+s3+$0x0], $0xffff  }
0x14d: {  	v8 =	vtrunc.f32 v8;
	v9 =	vtrunc.f32 v9;
	v7 =	vld.idx.msk [tilespmem:v7+s3+$0x0], $0xffff  }
0x14e: {  	v8 =	vcvt.f32.s32 v8;
	v15 =	vld [tilespmem:s2+$0xFFFFFF80];
	v12 =	vadd.s32 v12, v13;
	[tilespmem:s31+$0x10] =	vst v11;
	v9 =	vcvt.f32.s32 v9  }
0x14f: {  	v5 =	vcvt.f32.s32 v5;
	v6 =	vtrunc.f32 v6;
	v11 =	vld [tilespmem:s28+$0x20]  }
0x150: {  	v3 =	vmul.f32 $4.900000000e+01, v3;
	v8 =	vmul.u32 $0x32, v8;
	v6 =	vcvt.f32.s32 v6;
	v13 =	vld [tilespmem:s28+$0xA0]  }
0x151: {  	v5 =	vmul.u32 $0x32, v5;
	v16 =	vld [tilespmem:s2+$0xFFFFFF00];
	[tilespmem:s25+$0x30] =	vst v10;
	v10 =	vcvt.f32.s32 v0;
	v0 =	vtrunc.f32 v4  }
0x152: {  	v4 =	vmul.f32 $4.900000000e+01, v14;
	v3 =	vtrunc.f32 v3;
	v8 =	vadd.s32 v9, v8;
	v9 =	vld [tilespmem:s24+$0xC0];
	[tilespmem:s21+$0x70] =	vst v2  }
0x153: {  	v6 =	vmul.u32 $0x32, v6;
	v3 =	vcvt.f32.s32 v3;
	v2 =	vmul.f32 $4.900000000e+01, v15;
	v12 =	vld.idx.msk [tilespmem:v12+s3+$0x0], $0xffff;
	[tilespmem:s23+$0x50] =	vst v7  }
0x154: {  	v4 =	vtrunc.f32 v4;
	v10 =	vadd.s32 v10, v1;
	v1 =	vmovc v5;
	v7 =	vmul.f32 $4.900000000e+01, v11;
	v11 =	vld [tilespmem:s22+$0xE0]  }
0x155: {  	v4 =	vcvt.f32.s32 v4;
	v3 =	vmul.u32 $0x32, v3;
	v5 =	vmul.f32 $4.900000000e+01, v13;
	v13 =	vld [tilespmem:s24+$0x40]  }
0x156: {  	v2 =	vtrunc.f32 v2;
	v7 =	vtrunc.f32 v7;
	v14 =	vld [tilespmem:s22+$0x60]  }
0x157: {  	s0 =	sadd.s32 $0x2, s0;
	v3 =	vadd.s32 v4, v3;
	v4 =	vtrunc.f32 v5;
	v5 =	vld.idx.msk [tilespmem:v8+s3+$0x0], $0xffff;
	v8 =	vmul.f32 $4.900000000e+01, v9  }
0x158: {  	p1 =	slt.u32 s0, $0x3E;
	v7 =	vcvt.f32.s32 v7;
	v4 =	vcvt.f32.s32 v4;
	v9 =	vld [tilespmem:s22+$0xFFFFFF50]  }
0x159: {  	[tilespmem:s31+$0xFFFFFF90] =	vst v12;
	v8 =	vtrunc.f32 v8;
	v11 =	vmul.f32 $4.900000000e+01, v11;
	v12 =	vld [tilespmem:s20+$0xFFFFFFE0]  }
0x15a: {  	v15 =	vld [tilespmem:s28+$0xFFFFFFA0];
	v4 =	vmul.u32 $0x32, v4;
	v13 =	vmul.f32 $4.900000000e+01, v13;
	v8 =	vcvt.f32.s32 v8  }
0x15b: {  	v17 =	vld [tilespmem:s28+$0xFFFFFF20];
	v14 =	vmul.f32 $4.900000000e+01, v14;
	v11 =	vtrunc.f32 v11  }
0x15c: {  	v3 =	vld.idx.msk [tilespmem:v3+s3+$0x0], $0xffff;
	v4 =	vadd.s32 v7, v4;
	v7 =	vtrunc.f32 v13;
	v11 =	vcvt.f32.s32 v11  }
0x15d: {  	[tilespmem:s25+$0xFFFFFFB0] =	vst v5;
	v5 =	vcvt.f32.s32 v7;
	v7 =	vmul.u32 $0x32, v8;
	v8 =	vtrunc.f32 v14;
	v13 =	vld [tilespmem:s20+$0xFFFFFF60]  }
0x15e: {  	v14 =	vmul.f32 $4.900000000e+01, v16;
	v16 =	vld [tilespmem:s24+$0xFFFFFFC0];
	v8 =	vcvt.f32.s32 v8;
	v11 =	vmul.u32 $0x32, v11  }
0x15f: {  	v2 =	vcvt.f32.s32 v2;
	v15 =	vmul.f32 $4.900000000e+01, v15;
	v18 =	vld [tilespmem:s24+$0xFFFFFF40];
	v7 =	vadd.s32 v5, v7  }
0x160: {  	v14 =	vtrunc.f32 v14;
	v17 =	vmul.f32 $4.900000000e+01, v17;
	v8 =	vadd.s32 v8, v11;
	v5 =	vld [tilespmem:s19+$0xFFFFFFF0]  }
0x161: {  	v2 =	vmul.u32 $0x32, v2;
	s31 =	sadd.s32 $0x100, s31;
	v11 =	vcvt.f32.s32 v14;
	v14 =	vtrunc.f32 v15;
	v4 =	vld.idx.msk [tilespmem:v4+s3+$0x0], $0xffff  }
0x162: {  	[tilespmem:s31+$0x0] =	vst v3;
	v3 =	vtrunc.f32 v17;
	v14 =	vcvt.f32.s32 v14;
	v15 =	vld [tilespmem:s19+$0xFFFFFF70];
	s19 =	smov.u32 s20;
	s20 =	smov.u32 s22;
	s22 =	smov.u32 s24  }
0x163: {  	v2 =	vadd.s32 v11, v2;
	s24 =	smov.u32 s28;
	s28 =	smov.u32 s2;
	v11 =	vld [tilespmem:s2+$0x10];
	v3 =	vcvt.f32.s32 v3;
	v16 =	vmul.f32 $4.900000000e+01, v16  }
0x164: {  	v9 =	vmul.f32 $4.900000000e+01, v9;
	v14 =	vmul.u32 $0x32, v14;
	v17 =	vmul.f32 $4.900000000e+01, v18;
	v7 =	vld.idx.msk [tilespmem:v7+s3+$0x0], $0xffff  }
0x165: {  	v12 =	vmul.f32 $4.900000000e+01, v12;
	v16 =	vtrunc.f32 v16;
	v8 =	vld.idx.msk [tilespmem:v8+s3+$0x0], $0xffff  }
0x166: {  	v18 =	vld [tilespmem:s2+$0x90];
	v3 =	vadd.s32 v3, v14;
	v14 =	vtrunc.f32 v17;
	v16 =	vcvt.f32.s32 v16  }
0x167: {  	v9 =	vtrunc.f32 v9;
	[tilespmem:s1+$0x20] =	vst v4;
	v4 =	vcvt.f32.s32 v14;
	v10 =	vld.idx.msk [tilespmem:v10+s3+$0x0], $0xffff  }
0x168: {  	v9 =	vcvt.f32.s32 v9;
	v12 =	vtrunc.f32 v12;
	v14 =	vld [tilespmem:s24+$0x30];
	v16 =	vmul.u32 $0x32, v16  }
0x169: {  	v12 =	vcvt.f32.s32 v12;
	v13 =	vmul.f32 $4.900000000e+01, v13;
	v17 =	vld [tilespmem:s24+$0xB0]  }
0x16a: {  	v6 =	vadd.s32 v9, v6;
	v11 =	vmul.f32 $4.900000000e+01, v11;
	v2 =	vld.idx.msk [tilespmem:v2+s3+$0x0], $0xffff;
	v4 =	vadd.s32 v4, v16;
	[tilespmem:s25+$0x40] =	vst v7  }
0x16b: {  	v12 =	vmul.u32 $0x32, v12;
	v7 =	vmul.f32 $4.900000000e+01, v18;
	v9 =	vld [tilespmem:s22+$0x50];
	[tilespmem:s23+$0x60] =	vst v8;
	v8 =	vtrunc.f32 v13  }
0x16c: {  	v11 =	vtrunc.f32 v11;
	v13 =	vld [tilespmem:s20+$0xF0];
	v8 =	vcvt.f32.s32 v8  }
0x16d: {  	v7 =	vtrunc.f32 v7;
	v14 =	vmul.f32 $4.900000000e+01, v14;
	v16 =	vld [tilespmem:s22+$0xD0];
	[tilespmem:s16+$0xFFFFFFF0] =	vst v10;
	s16 =	smov.u32 s17;
	s17 =	smov.u32 s18;
	s18 =	smov.u32 s21  }
0x16e: {  	v10 =	vcvt.f32.s32 v11;
	s21 =	smov.u32 s23;
	s23 =	smov.u32 s25;
	s25 =	smov.u32 s1;
	v11 =	vmul.f32 $4.900000000e+01, v17;
	v17 =	vld [tilespmem:s20+$0x70];
	v8 =	vadd.s32 v8, v12  }
0x16f: {  	s1 =	smov.u32 s31;
	v7 =	vcvt.f32.s32 v7;
	v12 =	vld.idx.msk [tilespmem:v3+s3+$0x0], $0xffff;
	v3 =	vtrunc.f32 v14  }
0x170: {  	[tilespmem:s31+$0xFFFFFF80] =	vst v2;
	v2 =	vcvt.f32.s32 v3;
	v3 =	vtrunc.f32 v11;
	v4 =	vld.idx.msk [tilespmem:v4+s3+$0x0], $0xffff  }
0x171: {  	v11 =	vld [tilespmem:s2+$0xFFFFFF90];
	v14 =	vcvt.f32.s32 v3;
	v3 =	vmul.f32 $4.900000000e+01, v13  }
0x172: {  	v7 =	vmul.u32 $0x32, v7;
	v9 =	vmul.f32 $4.900000000e+01, v9;
	v13 =	vld [tilespmem:s2+$0xFFFFFF10];
	v16 =	vmul.f32 $4.900000000e+01, v16  }
0x173: {  	v18 =	vld.idx.msk [tilespmem:v6+s3+$0x0], $0xffff;
	v6 =	vmul.f32 $4.900000000e+01, v17;
	v3 =	vtrunc.f32 v3  }
0x174: {  	v7 =	vadd.s32 v10, v7;
	v10 =	vtrunc.f32 v16;
	v16 =	vcvt.f32.s32 v3;
	v3 =	vld.idx.msk [tilespmem:v8+s3+$0x0], $0xffff  }
.Ltmp0:
0x175: {  	[tilespmem:s25+$0xFFFFFFA0] =	vst v12;
	v12 =	vmul.u32 $0x32, v14;
	v14 =	vcvt.f32.s32 v10;
	v6 =	vtrunc.f32 v6;
	(pc) =	sbr.rel @p1 .LBB2_3-.Ltmp0, $4  }
0x176: {  	v8 =	vld [tilespmem:s24+$0xFFFFFFB0];
	[tilespmem:s23+$0xFFFFFFC0] =	vst v4;
	v4 =	vtrunc.f32 v9;
	v17 =	vcvt.f32.s32 v6;
	v16 =	vmul.u32 $0x32, v16  }
0x177: {  	v9 =	vld [tilespmem:s24+$0xFFFFFF30];
	v10 =	vadd.s32 v2, v12;
	v4 =	vcvt.f32.s32 v4;
	v14 =	vmul.u32 $0x32, v14  }
0x178: {  	v12 =	vmul.f32 $4.900000000e+01, v13;
	v13 =	vmul.f32 $4.900000000e+01, v11;
	v6 =	vld [tilespmem:s22+$0xFFFFFFD0];
	v2 =	vadd.s32 v17, v16  }
0x179: {  	v5 =	vmul.f32 $4.900000000e+01, v5;
	s2 =	sadd.s32 $0x200, s2;
	v11 =	vld.idx.msk [tilespmem:v7+s3+$0x0], $0xffff;
	v7 =	vadd.s32 v4, v14;
	[tilespmem:s21+$0xFFFFFFD0] =	vst v18;
	v4 =	vmul.f32 $4.900000000e+01, v15  }
0x17a: {  	v13 =	vtrunc.f32 v13  }
0x17b: {  	v13 =	vcvt.f32.s32 v13  }
0x17c: {  	v12 =	vtrunc.f32 v12  }
0x17d: {  	v12 =	vcvt.f32.s32 v12;
	v13 =	vmul.u32 $0x32, v13;
	_ =	sdelay $0x1  }
0x17e: {  	v12 =	vadd.s32 v12, v13;
	_ =	sdelay $0x1  }
0x17f: {  	[tilespmem:s31+$0x10] =	vst v11  }
0x180: {  	v11 =	vld [tilespmem:s28+$0xA0]  }
0x181: {  	v51 =	vld [tilespmem:s28+$0x20]  }
0x182: {  	v12 =	vld.idx.msk [tilespmem:v12+s3+$0x0], $0xffff;
	_ =	sdelay $0x2  }
0x183: {  	v11 =	vmul.f32 $4.900000000e+01, v11;
	_ =	sdelay $0x1  }
0x184: {  	v13 =	vmul.f32 $4.900000000e+01, v51;
	v11 =	vtrunc.f32 v11;
	[tilespmem:s31+$0xFFFFFF90] =	vst v12  }
0x185: {  	v11 =	vcvt.f32.s32 v11;
	v53 =	vld [tilespmem:s28+$0xFFFFFFA0]  }
0x186: {  	v52 =	vtrunc.f32 v13  }
0x187: {  	v12 =	vcvt.f32.s32 v52;
	v11 =	vmul.u32 $0x32, v11;
	v14 =	vld [tilespmem:s28+$0xFFFFFF20];
	_ =	sdelay $0x1  }
0x188: {  	v11 =	vadd.s32 v12, v11  }
0x189: {  	v54 =	vmul.f32 $4.900000000e+01, v53;
	_ =	sdelay $0x1  }
0x18a: {  	v55 =	vmul.f32 $4.900000000e+01, v14;
	v12 =	vtrunc.f32 v54  }
0x18b: {  	v12 =	vcvt.f32.s32 v12  }
0x18c: {  	v11 =	vld.idx.msk [tilespmem:v11+s3+$0x0], $0xffff;
	v13 =	vtrunc.f32 v55  }
0x18d: {  	v13 =	vcvt.f32.s32 v13;
	v12 =	vmul.u32 $0x32, v12;
	_ =	sdelay $0x1  }
0x18e: {  	v12 =	vadd.s32 v13, v12;
	_ =	sdelay $0x1  }
0x18f: {  	[tilespmem:s1+$0x20] =	vst v11  }
0x190: {  	v11 =	vld [tilespmem:s28+$0xB0]  }
0x191: {  	v56 =	vld [tilespmem:s28+$0x30]  }
0x192: {  	v12 =	vld.idx.msk [tilespmem:v12+s3+$0x0], $0xffff;
	_ =	sdelay $0x2  }
0x193: {  	v11 =	vmul.f32 $4.900000000e+01, v11;
	_ =	sdelay $0x1  }
0x194: {  	v13 =	vmul.f32 $4.900000000e+01, v56;
	v11 =	vtrunc.f32 v11;
	[tilespmem:s1+$0xFFFFFFA0] =	vst v12  }
0x195: {  	v11 =	vcvt.f32.s32 v11;
	v58 =	vld [tilespmem:s28+$0xFFFFFFB0]  }
0x196: {  	v10 =	vld.idx.msk [tilespmem:v10+s3+$0x0], $0xffff;
	v8 =	vmul.f32 $4.900000000e+01, v8;
	v57 =	vtrunc.f32 v13  }
0x197: {  	v12 =	vcvt.f32.s32 v57;
	v11 =	vmul.u32 $0x32, v11;
	v59 =	vld [tilespmem:s28+$0xFFFFFF30]  }
0x198: {  	v9 =	vmul.f32 $4.900000000e+01, v9;
	v8 =	vtrunc.f32 v8  }
0x199: {  	v8 =	vcvt.f32.s32 v8;
	v11 =	vadd.s32 v12, v11  }
0x19a: {  	v9 =	vtrunc.f32 v9;
	v60 =	vmul.f32 $4.900000000e+01, v58  }
0x19b: {  	[tilespmem:s25+$0x30] =	vst v10;
	v9 =	vcvt.f32.s32 v9;
	v8 =	vmul.u32 $0x32, v8  }
0x19c: {  	v10 =	vld [tilespmem:s24+$0xC0];
	v61 =	vmul.f32 $4.900000000e+01, v59;
	v12 =	vtrunc.f32 v60  }
0x19d: {  	v62 =	vld [tilespmem:s24+$0x40];
	v8 =	vadd.s32 v9, v8;
	v12 =	vcvt.f32.s32 v12  }
0x19e: {  	v11 =	vld.idx.msk [tilespmem:v11+s3+$0x0], $0xffff;
	v13 =	vtrunc.f32 v61  }
0x19f: {  	v63 =	vcvt.f32.s32 v13;
	v12 =	vmul.u32 $0x32, v12;
	_ =	sdelay $0x1  }
0x1a0: {  	v10 =	vmul.f32 $4.900000000e+01, v10;
	v9 =	vadd.s32 v63, v12  }
0x1a1: {  	v8 =	vld.idx.msk [tilespmem:v8+s3+$0x0], $0xffff  }
0x1a2: {  	v16 =	vmul.f32 $4.900000000e+01, v62;
	v10 =	vtrunc.f32 v10;
	[tilespmem:s1+$0x30] =	vst v11  }
0x1a3: {  	v10 =	vcvt.f32.s32 v10;
	v17 =	vld [tilespmem:s28+$0xC0]  }
0x1a4: {  	v11 =	vtrunc.f32 v16;
	v18 =	vld [tilespmem:s28+$0x40]  }
0x1a5: {  	v10 =	vmul.u32 $0x32, v10;
	v11 =	vcvt.f32.s32 v11;
	v9 =	vld.idx.msk [tilespmem:v9+s3+$0x0], $0xffff  }
0x1a6: {  	[tilespmem:s25+$0xFFFFFFB0] =	vst v8  }
0x1a7: {  	v8 =	vld [tilespmem:s24+$0xFFFFFFC0];
	v10 =	vadd.s32 v11, v10  }
0x1a8: {  	v19 =	vmul.f32 $4.900000000e+01, v17  }
0x1a9: {  	v21 =	vld [tilespmem:s24+$0xFFFFFF40]  }
0x1aa: {  	v20 =	vmul.f32 $4.900000000e+01, v18;
	v11 =	vtrunc.f32 v19;
	[tilespmem:s1+$0xFFFFFFB0] =	vst v9  }
0x1ab: {  	v11 =	vcvt.f32.s32 v11;
	v23 =	vld [tilespmem:s28+$0xFFFFFFC0]  }
0x1ac: {  	v8 =	vmul.f32 $4.900000000e+01, v8;
	v22 =	vtrunc.f32 v20;
	v10 =	vld.idx.msk [tilespmem:v10+s3+$0x0], $0xffff  }
0x1ad: {  	v9 =	vcvt.f32.s32 v22;
	v11 =	vmul.u32 $0x32, v11;
	v24 =	vld [tilespmem:s28+$0xFFFFFF40]  }
0x1ae: {  	v25 =	vmul.f32 $4.900000000e+01, v21;
	v8 =	vtrunc.f32 v8  }
0x1af: {  	v8 =	vcvt.f32.s32 v8;
	v9 =	vadd.s32 v9, v11  }
0x1b0: {  	v7 =	vld.idx.msk [tilespmem:v7+s3+$0x0], $0xffff;
	v11 =	vtrunc.f32 v25;
	v12 =	vmul.f32 $4.900000000e+01, v23  }
0x1b1: {  	v33 =	vld [tilespmem:s22+$0xFFFFFF50];
	v8 =	vmul.u32 $0x32, v8;
	[tilespmem:s25+$0x40] =	vst v10;
	v11 =	vcvt.f32.s32 v11  }
0x1b2: {  	v10 =	vld [tilespmem:s24+$0xD0];
	v26 =	vmul.f32 $4.900000000e+01, v24;
	v12 =	vtrunc.f32 v12  }
0x1b3: {  	v27 =	vld [tilespmem:s24+$0x50];
	v28 =	vadd.s32 v11, v8;
	v12 =	vcvt.f32.s32 v12  }
0x1b4: {  	v9 =	vld.idx.msk [tilespmem:v9+s3+$0x0], $0xffff;
	v13 =	vtrunc.f32 v26  }
0x1b5: {  	v6 =	vmul.f32 $4.900000000e+01, v6;
	v29 =	vcvt.f32.s32 v13;
	v30 =	vmul.u32 $0x32, v12  }
0x1b6: {  	[tilespmem:s23+$0x50] =	vst v7;
	v11 =	vmul.f32 $4.900000000e+01, v33  }
0x1b7: {  	v6 =	vtrunc.f32 v6;
	v31 =	vld [tilespmem:s22+$0xE0];
	v10 =	vmul.f32 $4.900000000e+01, v10;
	v8 =	vadd.s32 v29, v30  }
0x1b8: {  	v6 =	vcvt.f32.s32 v6;
	v11 =	vtrunc.f32 v11;
	v7 =	vld.idx.msk [tilespmem:v28+s3+$0x0], $0xffff  }
0x1b9: {  	v32 =	vld [tilespmem:s22+$0x60];
	v34 =	vmul.f32 $4.900000000e+01, v27;
	v10 =	vtrunc.f32 v10;
	[tilespmem:s1+$0x40] =	vst v9  }
0x1ba: {  	v6 =	vmul.u32 $0x32, v6;
	v11 =	vcvt.f32.s32 v11;
	v10 =	vcvt.f32.s32 v10;
	v35 =	vld [tilespmem:s28+$0xD0]  }
0x1bb: {  	v9 =	vtrunc.f32 v34;
	v15 =	vld [tilespmem:s28+$0x50]  }
0x1bc: {  	v6 =	vadd.s32 v11, v6;
	v9 =	vcvt.f32.s32 v9;
	v10 =	vmul.u32 $0x32, v10;
	v8 =	vld.idx.msk [tilespmem:v8+s3+$0x0], $0xffff  }
0x1bd: {  	[tilespmem:s25+$0xFFFFFFC0] =	vst v7  }
0x1be: {  	v9 =	vadd.s32 v9, v10;
	v7 =	vld [tilespmem:s24+$0xFFFFFFD0]  }
0x1bf: {  	v38 =	vld [tilespmem:s24+$0xFFFFFF50];
	v36 =	vmul.f32 $4.900000000e+01, v35  }
0x1c0: {  	v13 =	vmul.f32 $4.900000000e+01, v32;
	v37 =	vmul.f32 $4.900000000e+01, v15  }
0x1c1: {  	v12 =	vmul.f32 $4.900000000e+01, v31;
	v6 =	vld.idx.msk [tilespmem:v6+s3+$0x0], $0xffff;
	v10 =	vtrunc.f32 v36;
	[tilespmem:s1+$0xFFFFFFC0] =	vst v8  }
0x1c2: {  	v40 =	vtrunc.f32 v37;
	v10 =	vcvt.f32.s32 v10;
	v41 =	vld [tilespmem:s28+$0xFFFFFFD0]  }
0x1c3: {  	v39 =	vtrunc.f32 v12;
	v9 =	vld.idx.msk [tilespmem:v9+s3+$0x0], $0xffff;
	v42 =	vcvt.f32.s32 v40  }
0x1c4: {  	v7 =	vmul.f32 $4.900000000e+01, v7;
	v45 =	vmul.f32 $4.900000000e+01, v38;
	v10 =	vmul.u32 $0x32, v10;
	v43 =	vld [tilespmem:s28+$0xFFFFFF50]  }
0x1c5: {  	v13 =	vtrunc.f32 v13;
	v8 =	vcvt.f32.s32 v39  }
0x1c6: {  	v7 =	vtrunc.f32 v7;
	v47 =	vtrunc.f32 v45;
	v10 =	vadd.s32 v42, v10  }
0x1c7: {  	[tilespmem:s23+$0xFFFFFFD0] =	vst v6;
	v7 =	vcvt.f32.s32 v7;
	v14 =	vmul.f32 $4.900000000e+01, v41  }
0x1c8: {  	v44 =	vcvt.f32.s32 v13;
	v6 =	vld [tilespmem:s22+$0xFFFFFFE0];
	v8 =	vmul.u32 $0x32, v8;
	[tilespmem:s25+$0x50] =	vst v9;
	v9 =	vcvt.f32.s32 v47  }
0x1c9: {  	v48 =	vld [tilespmem:s24+$0xE0];
	v7 =	vmul.u32 $0x32, v7;
	v12 =	vmul.f32 $4.900000000e+01, v43;
	v49 =	vtrunc.f32 v14  }
0x1ca: {  	v16 =	vld [tilespmem:s24+$0x60];
	v8 =	vadd.s32 v44, v8;
	v13 =	vcvt.f32.s32 v49  }
0x1cb: {  	v7 =	vadd.s32 v9, v7;
	v10 =	vld.idx.msk [tilespmem:v10+s3+$0x0], $0xffff;
	v12 =	vtrunc.f32 v12  }
0x1cc: {  	v46 =	vld [tilespmem:s20+$0xFFFFFFE0];
	v12 =	vcvt.f32.s32 v12;
	v51 =	vmul.u32 $0x32, v13  }
0x1cd: {  	v50 =	vld [tilespmem:s20+$0xFFFFFF60];
	v0 =	vcvt.f32.s32 v0  }
0x1ce: {  	v5 =	vtrunc.f32 v5;
	v54 =	vld [tilespmem:s22+$0xFFFFFF60];
	v11 =	vmul.f32 $4.900000000e+01, v48;
	v9 =	vadd.s32 v12, v51  }
0x1cf: {  	v4 =	vtrunc.f32 v4;
	v6 =	vmul.f32 $4.900000000e+01, v6;
	v8 =	vld.idx.msk [tilespmem:v8+s3+$0x0], $0xffff  }
0x1d0: {  	v57 =	vmul.f32 $4.900000000e+01, v16;
	v11 =	vtrunc.f32 v11;
	v7 =	vld.idx.msk [tilespmem:v7+s3+$0x0], $0xffff;
	[tilespmem:s1+$0x50] =	vst v10  }
0x1d1: {  	v5 =	vcvt.f32.s32 v5;
	v11 =	vcvt.f32.s32 v11;
	v56 =	vld [tilespmem:s28+$0xE0]  }
0x1d2: {  	v6 =	vtrunc.f32 v6;
	v15 =	vtrunc.f32 v57;
	v58 =	vld [tilespmem:s28+$0x60]  }
0x1d3: {  	v60 =	vcvt.f32.s32 v15;
	v13 =	vmul.f32 $4.900000000e+01, v54;
	v11 =	vmul.u32 $0x32, v11;
	v9 =	vld.idx.msk [tilespmem:v9+s3+$0x0], $0xffff  }
0x1d4: {  	v52 =	vmul.f32 $4.900000000e+01, v46;
	v6 =	vcvt.f32.s32 v6;
	[tilespmem:s23+$0x60] =	vst v8  }
0x1d5: {  	v55 =	vmul.f32 $4.900000000e+01, v50;
	v18 =	vtrunc.f32 v13;
	v61 =	vld [tilespmem:s22+$0xF0];
	v62 =	vadd.s32 v60, v11  }
0x1d6: {  	v53 =	vtrunc.f32 v52;
	v6 =	vmul.u32 $0x32, v6;
	v21 =	vcvt.f32.s32 v18;
	v17 =	vld [tilespmem:s22+$0x70];
	[tilespmem:s25+$0xFFFFFFD0] =	vst v7  }
0x1d7: {  	v10 =	vtrunc.f32 v55;
	v12 =	vcvt.f32.s32 v53;
	v63 =	vld [tilespmem:s24+$0xFFFFFFE0]  }
0x1d8: {  	v20 =	vld [tilespmem:s24+$0xFFFFFF60];
	v6 =	vadd.s32 v21, v6;
	v14 =	vmul.f32 $4.900000000e+01, v56;
	v16 =	vmul.f32 $4.900000000e+01, v58;
	[tilespmem:s1+$0xFFFFFFD0] =	vst v9  }
0x1d9: {  	v4 =	vcvt.f32.s32 v4;
	v59 =	vcvt.f32.s32 v10;
	v12 =	vmul.u32 $0x32, v12;
	v22 =	vld [tilespmem:s28+$0xFFFFFFE0]  }
0x1da: {  	v14 =	vtrunc.f32 v14;
	v11 =	vtrunc.f32 v16;
	v7 =	vld.idx.msk [tilespmem:v62+s3+$0x0], $0xffff  }
0x1db: {  	[tilespmem:s18+$0xFFFFFFE0] =	vst v3;
	v8 =	vadd.s32 v59, v12;
	v15 =	vmul.f32 $4.900000000e+01, v61;
	v24 =	vmul.f32 $4.900000000e+01, v17;
	v23 =	vld [tilespmem:s28+$0xFFFFFF60]  }
0x1dc: {  	v26 =	vld [tilespmem:s19+$0xFFFFFF70];
	v19 =	vcvt.f32.s32 v14;
	v10 =	vmul.f32 $4.900000000e+01, v63  }
0x1dd: {  	v11 =	vcvt.f32.s32 v11;
	v14 =	vmul.f32 $4.900000000e+01, v20;
	v6 =	vld.idx.msk [tilespmem:v6+s3+$0x0], $0xffff  }
0x1de: {  	v13 =	vmul.u32 $0x32, v19;
	v10 =	vtrunc.f32 v10;
	v12 =	vmul.f32 $4.900000000e+01, v22  }
0x1df: {  	v25 =	vld [tilespmem:s19+$0xFFFFFFF0];
	v14 =	vtrunc.f32 v14;
	v10 =	vcvt.f32.s32 v10  }
0x1e0: {  	v8 =	vld.idx.msk [tilespmem:v8+s3+$0x0], $0xffff;
	v11 =	vadd.s32 v11, v13;
	[tilespmem:s25+$0x60] =	vst v7;
	v9 =	vmul.f32 $4.900000000e+01, v23;
	v12 =	vtrunc.f32 v12  }
0x1e1: {  	v28 =	vcvt.f32.s32 v14;
	v10 =	vmul.u32 $0x32, v10;
	v29 =	vld [tilespmem:s24+$0xF0];
	v12 =	vcvt.f32.s32 v12  }
0x1e2: {  	v16 =	vmul.f32 $4.900000000e+01, v26;
	v30 =	vld [tilespmem:s24+$0x70];
	[tilespmem:s23+$0xFFFFFFE0] =	vst v6;
	v9 =	vtrunc.f32 v9  }
0x1e3: {  	v37 =	vld [tilespmem:s22+$0xFFFFFFF0];
	v10 =	vadd.s32 v28, v10;
	v9 =	vcvt.f32.s32 v9;
	v31 =	vmul.u32 $0x32, v12  }
0x1e4: {  	v15 =	vtrunc.f32 v15;
	v3 =	vtrunc.f32 v24;
	v43 =	vld [tilespmem:s22+$0xFFFFFF70]  }
0x1e5: {  	v38 =	vtrunc.f32 v16;
	v13 =	vmul.f32 $4.900000000e+01, v25;
	[tilespmem:s21+$0xFFFFFFE0] =	vst v8;
	v27 =	vld.idx.msk [tilespmem:v11+s3+$0x0], $0xffff;
	v35 =	vadd.s32 v9, v31  }
0x1e6: {  	v32 =	vcvt.f32.s32 v15;
	v3 =	vcvt.f32.s32 v3;
	v33 =	vld [tilespmem:s20+$0xFFFFFFF0]  }
0x1e7: {  	v7 =	vcvt.f32.s32 v38;
	v13 =	vtrunc.f32 v13;
	v34 =	vld [tilespmem:s20+$0xFFFFFF70]  }
0x1e8: {  	v36 =	vcvt.f32.s32 v13;
	v39 =	vmul.f32 $4.900000000e+01, v29;
	v10 =	vld.idx.msk [tilespmem:v10+s3+$0x0], $0xffff  }
0x1e9: {  	v8 =	vmul.f32 $4.900000000e+01, v30;
	v48 =	vmul.f32 $4.900000000e+01, v37  }
0x1ea: {  	v52 =	vmul.f32 $4.900000000e+01, v43;
	v13 =	vtrunc.f32 v39;
	[tilespmem:s1+$0x60] =	vst v27;
	v6 =	vld.idx.msk [tilespmem:v35+s3+$0x0], $0xffff  }
0x1eb: {  	v5 =	vmul.u32 $0x32, v5;
	v15 =	vmul.f32 $4.900000000e+01, v33;
	v8 =	vtrunc.f32 v8;
	v40 =	vld [tilespmem:s28+$0xF0]  }
0x1ec: {  	v0 =	vadd.s32 v0, v1;
	v42 =	vmul.f32 $4.900000000e+01, v34;
	v13 =	vcvt.f32.s32 v13;
	v41 =	vld [tilespmem:s28+$0x70]  }
0x1ed: {  	v4 =	vadd.s32 v4, v5;
	v8 =	vcvt.f32.s32 v8;
	v55 =	vtrunc.f32 v52;
	[tilespmem:s25+$0xFFFFFFE0] =	vst v10  }
0x1ee: {  	v12 =	vmul.u32 $0x32, v32;
	v15 =	vtrunc.f32 v15;
	v1 =	vtrunc.f32 v42;
	v46 =	vld [tilespmem:s24+$0xFFFFFFF0]  }
0x1ef: {  	v15 =	vcvt.f32.s32 v15;
	v9 =	vmul.u32 $0x32, v36;
	v1 =	vcvt.f32.s32 v1;
	[tilespmem:s1+$0xFFFFFFE0] =	vst v6  }
0x1f0: {  	v3 =	vadd.s32 v3, v12;
	v10 =	vtrunc.f32 v48;
	v44 =	vmul.f32 $4.900000000e+01, v40;
	v51 =	vld [tilespmem:s28+$0xFFFFFFF0]  }
0x1f1: {  	v7 =	vadd.s32 v7, v9;
	v9 =	vcvt.f32.s32 v55;
	v49 =	vld [tilespmem:s24+$0xFFFFFF70];
	v45 =	vmul.f32 $4.900000000e+01, v41  }
0x1f2: {  	v50 =	vmul.u32 $0x32, v13;
	v10 =	vcvt.f32.s32 v10;
	v47 =	vtrunc.f32 v44;
	v54 =	vld [tilespmem:s28+$0xFFFFFF70]  }
0x1f3: {  	v15 =	vmul.u32 $0x32, v15;
	v12 =	vtrunc.f32 v45;
	v14 =	vmul.f32 $4.900000000e+01, v46  }
0x1f4: {  	v10 =	vmul.u32 $0x32, v10;
	v5 =	vcvt.f32.s32 v47;
	v53 =	vcvt.f32.s32 v12  }
0x1f5: {  	v1 =	vadd.s32 v1, v15;
	v14 =	vtrunc.f32 v14;
	v13 =	vmul.f32 $4.900000000e+01, v51  }
0x1f6: {  	v9 =	vadd.s32 v9, v10;
	v11 =	vmul.f32 $4.900000000e+01, v49;
	v56 =	vcvt.f32.s32 v14  }
0x1f7: {  	v2 =	vld.idx.msk [tilespmem:v2+s3+$0x0], $0xffff;
	v6 =	vadd.s32 v8, v50;
	v12 =	vmul.f32 $4.900000000e+01, v54;
	v13 =	vtrunc.f32 v13  }
0x1f8: {  	v0 =	vld.idx.msk [tilespmem:v0+s3+$0x0], $0xffff;
	v5 =	vmul.u32 $0x32, v5;
	v11 =	vtrunc.f32 v11;
	v13 =	vcvt.f32.s32 v13  }
0x1f9: {  	v4 =	vld.idx.msk [tilespmem:v4+s3+$0x0], $0xffff;
	v11 =	vcvt.f32.s32 v11;
	v8 =	vmul.u32 $0x32, v56;
	v12 =	vtrunc.f32 v12  }
0x1fa: {  	v3 =	vld.idx.msk [tilespmem:v3+s3+$0x0], $0xffff;
	v5 =	vadd.s32 v53, v5;
	v12 =	vcvt.f32.s32 v12;
	v57 =	vmul.u32 $0x32, v13  }
0x1fb: {  	v58 =	vld.idx.msk [tilespmem:v7+s3+$0x0], $0xffff;
	v8 =	vadd.s32 v11, v8  }
0x1fc: {  	[tilespmem:s21+$0x70] =	vst v2;
	v1 =	vld.idx.msk [tilespmem:v1+s3+$0x0], $0xffff;
	v59 =	vadd.s32 v12, v57  }
0x1fd: {  	[tilespmem:s16+$0xFFFFFFF0] =	vst v0;
	v61 =	vld.idx.msk [tilespmem:v9+s3+$0x0], $0xffff  }
0x1fe: {  	[tilespmem:s17+$0xFFFFFFF0] =	vst v4;
	v6 =	vld.idx.msk [tilespmem:v6+s3+$0x0], $0xffff  }
0x1ff: {  	[tilespmem:s23+$0x70] =	vst v3;
	v60 =	vld.idx.msk [tilespmem:v5+s3+$0x0], $0xffff  }
0x200: {  	[tilespmem:s18+$0xFFFFFFF0] =	vst v58;
	v62 =	vld.idx.msk [tilespmem:v8+s3+$0x0], $0xffff  }
0x201: {  	[tilespmem:s21+$0xFFFFFFF0] =	vst v1;
	v63 =	vld.idx.msk [tilespmem:v59+s3+$0x0], $0xffff  }
0x202: {  	[tilespmem:s23+$0xFFFFFFF0] =	vst v61  }
0x203: {  	[tilespmem:s25+$0x70] =	vst v6  }
0x204: {  	[tilespmem:s1+$0x70] =	vst v60  }
0x205: {  	[tilespmem:s25+$0xFFFFFFF0] =	vst v62  }
0x206: {  	s0 =	sadd.s32 s29, s6;
	p1 =	sgt.u32 s15, $0x1;
	[tilespmem:s1+$0xFFFFFFF0] =	vst v63  }
0x207: {  	[hbm4b:s0+s3] =	stream.linear.scatter [tilespmem:s30], [sflag:$0x3], $0x2000, $0x38;
	[tilespmem:$0xCA00] =	vst v63  }
0x208: {  	s0 =	sshll.u32 @!p1 s15, $0xB  }
0x209: {  	s1 =	simm.s32 @!p1 $0x0;
	s15 =	sadd.s32 $0x1, s15;
	s0 =	sadd.s32 @!p1 s0, s7  }
0x20a: {  	[tilespmem:s26], [sflag:$0x2] =	stream.linear.gather @!p1 [hbm4b:s0+s1], $0x4000, $0x38;
	[tilespmem:$0xCA00] =	vst v63  }
0x20b: {  	p1 =	sne.s32 s15, $0x4  }
.Ltmp1:
0x20c: {  	_ = 	snop;
	(pc) =	sbr.rel @p1 .LBB2_2-.Ltmp1, $2  }
0x20d: {  	_ =	sdelay $0x2  }
0x20e: {  	p0 =	por !p0, !p0  }
0x20f: {  	s14 =	sadd.s32 $0x1, s14  }
0x210: {  	_ =	swait.ge [sflag:s13], $0x2000;
	p0 =	sne.s32 s14, s8  }
.Ltmp2:
0x211: {  	[sflag:s13] =	ssyncset.done $0x0;
	(pc) =	sbr.rel @p0 .LBB2_1-.Ltmp2, $4  }
0x212: {  	[sflag:s13] =	ssyncadd.s32 $0xFFFFE000  }
0x213: {  	_ =	swait.ge [sflag:s13], $0x2000  }
0x214: {  	[sflag:s13] =	ssyncset.done $0x0  }
0x215: {  	[sflag:s13] =	ssyncadd.s32 $0xFFFFE000  }
0x216: {  	_ =	sfence.sel $0x180000  }
0x217: {  	[bflag:$0x0] =	sbarrier.arrive $0xFFFF  }
0x218: {  	_ =	strace $0x90000047  }
0x219: {  	s0 =	stileid.u32;
	[bflag:$0x2] =	sbarrier.arrive $0xFFFF  }
0x21a: {  	p0 =	sne.s32 s0, $0x0;
	s0 =	rddreg [dreg:$0x3]  }
0x21b: {  	s0 =	sadd.s32 @!p0 $0x100000, s0  }
0x21c: {  	[sflag:s0] =	ssyncadd.tile.s32 @!p0 $0x1;
	_ =	shalt  }
.Lfunc_end2:
_tile_overlayer_lowered:
.L_overlay_start_2:
0x21d: {  	(tag) =	ssettag $0x2  }
0x21e: {  	s0 =	rddreg [dreg:$0x0];
	s2 =	stileid.u32  }
0x21f: {  	s1 =	rddreg [dreg:$0x1];
	p0 =	sne.s32 s2, $0x0  }
0x220: {  	s3 =	rddreg [dreg:$0x2];
	[bflag:$0x3] =	sbarrier.arrive $0xFFFF;
	s2 =	simm.s32 @!p0 $0x1C04  }
0x221: {  	[timem:s3], [sflag:s2] =	dma.local @!p0 [hbm:s0], s1  }
0x222: {  	s0 =	simm.s32 @!p0 $0x4  }
0x223: {  	_ =	swait.ge @!p0 [sflag:s0], s1  }
0x224: {  	s1 =	ssub.s32 @!p0 $0x0, s1;
	[sflag:s0] =	ssyncset.done @!p0 $0x0  }
0x225: {  	[sflag:s0] =	ssyncadd.s32 @!p0 s1  }
0x226: {  	[bflag:$0x3] =	sbarrier.arrive $0xFFFF  }
0x227: {  	_ =	shalt  }

</sc_bundles>
